<compile_context>
chip_gen: v7x
topology: tpu7x:2x2x1
jax: 0.10.2.dev20260603
libtpu: 0.0.44.dev20260713+nightly
codegen_flags: <defaults>
</compile_context>

<pallas_src>
import functools
import jax
import jax.numpy as jnp
from jax import lax
from jax.experimental import pallas as pl
from jax.experimental.pallas import tpu as pltpu
from jax.experimental.pallas import tpu_sc as plsc

D = 64
SCALE = 8.0
NC, NS, L = 2, 16, 16
NW = NC * NS
NB = 200
BLK = 128
NBUF = 4
LOOKAHEAD = 2

_mesh = plsc.VectorSubcoreMesh(core_axis_name="c", subcore_axis_name="s")


@functools.partial(
    pl.kernel,
    mesh=_mesh,
    out_type=jax.ShapeDtypeStruct((4096, NB, D), jnp.float32),
    scratch_types=[
        [pltpu.VMEM((BLK,), jnp.int32) for _ in range(NBUF)],
        [pltpu.VMEM((BLK, D), jnp.float32) for _ in range(NBUF)],
        [pltpu.SemaphoreType.DMA for _ in range(NBUF)],
        [pltpu.SemaphoreType.DMA for _ in range(NBUF)],
        [pltpu.SemaphoreType.DMA for _ in range(NBUF)],
    ],
    compiler_params=pltpu.CompilerParams(use_tc_tiling_on_sc=False),
)
def _emb_lookup(tok_hbm, table_hbm, out_hbm, ibuf, rows, isem, gsem, wsem):
    wid = lax.axis_index("s") * NC + lax.axis_index("c")

    def idx_load(g, b, use_sem):
        ts = lax.div(g, 8)
        si = lax.rem(g, 8)
        if use_sem:
            pltpu.async_copy(tok_hbm.at[ts, wid, si], ibuf[b], isem[b])
        else:
            pltpu.sync_copy(tok_hbm.at[ts, wid, si], ibuf[b])

    def gather_wait(b):
        pltpu.make_async_copy(table_hbm.at[pl.ds(0, BLK)], rows[b], gsem[b]).wait()

    def write_wait(b):
        pltpu.make_async_copy(table_hbm.at[pl.ds(0, BLK)], rows[b], wsem[b]).wait()

    def idx_wait(b):
        pltpu.make_async_copy(tok_hbm.at[0, 0, 0], ibuf[b], isem[b]).wait()

    idx_load(0, 0, False)
    idx_load(1, 1, False)
    idx_load(2, 2, True)
    idx_load(3, 3, True)
    pltpu.async_copy(table_hbm.at[ibuf[0]], rows[0], gsem[0])
    pltpu.async_copy(table_hbm.at[ibuf[1]], rows[1], gsem[1])

    def outer(i, carry):
        gbase = i * NBUF
        for b in range(NBUF):
            g = gbase + b
            gather_wait(b)

            @pl.when(g + NBUF < NB)
            def _():
                idx_load(g + NBUF, b, True)

            @pl.when(g >= NBUF)
            def _():
                write_wait(b)

            def row_body(r, c2):
                for j in range(D // L):
                    rows[b][r, pl.ds(j * L, L)] = rows[b][r, pl.ds(j * L, L)] * SCALE
                return c2

            lax.fori_loop(0, BLK, row_body, 0, unroll=4)
            pltpu.async_copy(
                rows[b], out_hbm.at[pl.ds(wid * BLK, BLK), g], wsem[b]
            )

            g2 = g + LOOKAHEAD
            b2 = (b + LOOKAHEAD) % NBUF

            @pl.when(g2 < NB)
            def _():
                idx_wait(b2)
                pltpu.async_copy(table_hbm.at[ibuf[b2]], rows[b2], gsem[b2])

        return carry

    lax.fori_loop(0, NB // NBUF, outer, 0)
    for b in range(NBUF):
        write_wait(b)


def kernel(tokens, table):
    tok_phys = tokens.T.reshape(25, 8, NW, BLK).transpose(0, 2, 1, 3)
    return _emb_lookup(tok_phys, table)

# --- scband reference (transcript-rebuilt; emitter-appended) ---
"""Pipeline reference for scband-token-embedding-51024211476613 (READ-ONLY COPY).

The authoritative reference and input builder live on the scoring server;
editing this copy changes nothing except your own understanding.
"""

import jax, jax.numpy as jnp
import numpy as np
import math

VOCAB_SIZE = 1000000
EMBEDDING_SIZE = 64

def setup_inputs(seed: int = 0) -> dict:
    key = jax.random.key(seed)
    k_tok, k_tab = jax.random.split(key)
    tokens = jax.random.randint(k_tok, (4096, 200), 0, VOCAB_SIZE, dtype=jnp.int64 if jax.config.jax_enable_x64 else jnp.int32)
    table = jax.random.normal(k_tab, (VOCAB_SIZE, EMBEDDING_SIZE), dtype=jnp.float32)
    return {"tokens": tokens, "table": table}

def reference(tokens, table):
    # TokenEmbedding.forward: embedding(tokens) * sqrt(embedding_size)
    emb = jnp.take(table, tokens, axis=0)
    return emb * math.sqrt(EMBEDDING_SIZE)

if __name__ == "__main__":
    import jax
    _d = setup_inputs()
    print(jax.jit(kernel)(*tuple(_d.values())))

</pallas_src>

<mosaic_0001>
#map = affine_map<(d0, d1) -> (0, 0, 0, 0)>
#map1 = affine_map<(d0, d1) -> (0, 0)>
#map2 = affine_map<(d0, d1) -> (0, 0, 0)>
module attributes {stable_mosaic.version = 14 : i64} {
  func.func @_emb_lookup(%arg0: i32, %arg1: i32, %arg2: memref<25x32x8x128xi32, #tpu.memory_space<hbm>>, %arg3: memref<1000000x64xf32, #tpu.memory_space<hbm>>, %arg4: memref<4096x200x64xf32, #tpu.memory_space<hbm>>, %arg5: memref<128xi32, #tpu.memory_space<vmem>>, %arg6: memref<128xi32, #tpu.memory_space<vmem>>, %arg7: memref<128xi32, #tpu.memory_space<vmem>>, %arg8: memref<128xi32, #tpu.memory_space<vmem>>, %arg9: memref<128x64xf32, #tpu.memory_space<vmem>>, %arg10: memref<128x64xf32, #tpu.memory_space<vmem>>, %arg11: memref<128x64xf32, #tpu.memory_space<vmem>>, %arg12: memref<128x64xf32, #tpu.memory_space<vmem>>, %arg13: memref<!tpu.dma_semaphore, #tpu.memory_space<semaphore_mem>>, %arg14: memref<!tpu.dma_semaphore, #tpu.memory_space<semaphore_mem>>, %arg15: memref<!tpu.dma_semaphore, #tpu.memory_space<semaphore_mem>>, %arg16: memref<!tpu.dma_semaphore, #tpu.memory_space<semaphore_mem>>, %arg17: memref<!tpu.dma_semaphore, #tpu.memory_space<semaphore_mem>>, %arg18: memref<!tpu.dma_semaphore, #tpu.memory_space<semaphore_mem>>, %arg19: memref<!tpu.dma_semaphore, #tpu.memory_space<semaphore_mem>>, %arg20: memref<!tpu.dma_semaphore, #tpu.memory_space<semaphore_mem>>, %arg21: memref<!tpu.dma_semaphore, #tpu.memory_space<semaphore_mem>>, %arg22: memref<!tpu.dma_semaphore, #tpu.memory_space<semaphore_mem>>, %arg23: memref<!tpu.dma_semaphore, #tpu.memory_space<semaphore_mem>>, %arg24: memref<!tpu.dma_semaphore, #tpu.memory_space<semaphore_mem>>) attributes {dimension_semantics = [#tpu.dimension_semantics<core_parallel>, #tpu.dimension_semantics<subcore_parallel>], iteration_bounds = array<i64: 2, 16>, scalar_prefetch = 0 : i64, scratch_operands = 20 : i64, tpu.core_type = #tpu.core_type<sc_vector_subcore>, window_params = [{transform_indices = #map}, {transform_indices = #map1}, {transform_indices = #map2}]} {
    %mul3A = arith.constant 2 : i32
    %mul3A_0 = arith.muli %arg1, %mul3A : i32
    %add3A = arith.addi %mul3A_0, %arg0 : i32
    %div3A = arith.constant 0 : i32
    %div3A_1 = arith.constant 8 : i32
    %div3A_2 = arith.divsi %div3A, %div3A_1 : i32
    %rem3A = arith.constant 0 : i32
    %rem3A_3 = arith.constant 8 : i32
    %rem3A_4 = arith.remsi %rem3A, %rem3A_3 : i32
    "tpu.region"() ({
      %run_scoped3A = tpu.sem_alloc : memref<!tpu.dma_semaphore, #tpu.memory_space<semaphore_mem>>
      %dma_start3A_68 = arith.constant 0 : i32
      %dma_start3A_69 = tpu.memref_slice %arg2[%div3A_2, %add3A, %rem3A_4, %dma_start3A_68] : memref<25x32x8x128xi32, #tpu.memory_space<hbm>> -> memref<1x1x1x128xi32, #tpu.memory_space<hbm>>
      %dma_start3A_70 = tpu.memref_squeeze %dma_start3A_69 : memref<1x1x1x128xi32, #tpu.memory_space<hbm>> -> memref<128xi32, #tpu.memory_space<hbm>>
      %dma_start3A_71 = arith.constant 0 : i32
      %dma_start3A_72 = tpu.memref_slice %arg2[%div3A_2, %add3A, %rem3A_4, %dma_start3A_71] : memref<25x32x8x128xi32, #tpu.memory_space<hbm>> -> memref<1x1x1x128xi32, #tpu.memory_space<hbm>>
      %dma_start3A_73 = tpu.memref_squeeze %dma_start3A_72 : memref<1x1x1x128xi32, #tpu.memory_space<hbm>> -> memref<128xi32, #tpu.memory_space<hbm>>
      tpu.enqueue_dma source(%dma_start3A_73 : memref<128xi32, #tpu.memory_space<hbm>>) target(%arg5 : memref<128xi32, #tpu.memory_space<vmem>>) target_semaphore(%run_scoped3A : memref<!tpu.dma_semaphore, #tpu.memory_space<semaphore_mem>>)
      %dma_wait3A_74 = arith.constant 0 : i32
      %dma_wait3A_75 = tpu.memref_slice %arg2[%div3A_2, %add3A, %rem3A_4, %dma_wait3A_74] : memref<25x32x8x128xi32, #tpu.memory_space<hbm>> -> memref<1x1x1x128xi32, #tpu.memory_space<hbm>>
      %dma_wait3A_76 = tpu.memref_squeeze %dma_wait3A_75 : memref<1x1x1x128xi32, #tpu.memory_space<hbm>> -> memref<128xi32, #tpu.memory_space<hbm>>
      %dma_wait3A_77 = arith.constant 0 : i32
      %dma_wait3A_78 = tpu.memref_slice %arg2[%div3A_2, %add3A, %rem3A_4, %dma_wait3A_77] : memref<25x32x8x128xi32, #tpu.memory_space<hbm>> -> memref<1x1x1x128xi32, #tpu.memory_space<hbm>>
      %dma_wait3A_79 = tpu.memref_squeeze %dma_wait3A_78 : memref<1x1x1x128xi32, #tpu.memory_space<hbm>> -> memref<128xi32, #tpu.memory_space<hbm>>
      tpu.wait_dma2 semaphore(%run_scoped3A : memref<!tpu.dma_semaphore, #tpu.memory_space<semaphore_mem>>) src(%dma_wait3A_79 : memref<128xi32, #tpu.memory_space<hbm>>) dst(%arg5 : memref<128xi32, #tpu.memory_space<vmem>>)
      tpu.yield
    }) : () -> ()
    %div3A_5 = arith.constant 1 : i32
    %div3A_6 = arith.constant 8 : i32
    %div3A_7 = arith.divsi %div3A_5, %div3A_6 : i32
    %rem3A_8 = arith.constant 1 : i32
    %rem3A_9 = arith.constant 8 : i32
    %rem3A_10 = arith.remsi %rem3A_8, %rem3A_9 : i32
    "tpu.region"() ({
      %run_scoped3A = tpu.sem_alloc : memref<!tpu.dma_semaphore, #tpu.memory_space<semaphore_mem>>
      %dma_start3A_68 = arith.constant 0 : i32
      %dma_start3A_69 = tpu.memref_slice %arg2[%div3A_7, %add3A, %rem3A_10, %dma_start3A_68] : memref<25x32x8x128xi32, #tpu.memory_space<hbm>> -> memref<1x1x1x128xi32, #tpu.memory_space<hbm>>
      %dma_start3A_70 = tpu.memref_squeeze %dma_start3A_69 : memref<1x1x1x128xi32, #tpu.memory_space<hbm>> -> memref<128xi32, #tpu.memory_space<hbm>>
      %dma_start3A_71 = arith.constant 0 : i32
      %dma_start3A_72 = tpu.memref_slice %arg2[%div3A_7, %add3A, %rem3A_10, %dma_start3A_71] : memref<25x32x8x128xi32, #tpu.memory_space<hbm>> -> memref<1x1x1x128xi32, #tpu.memory_space<hbm>>
      %dma_start3A_73 = tpu.memref_squeeze %dma_start3A_72 : memref<1x1x1x128xi32, #tpu.memory_space<hbm>> -> memref<128xi32, #tpu.memory_space<hbm>>
      tpu.enqueue_dma source(%dma_start3A_73 : memref<128xi32, #tpu.memory_space<hbm>>) target(%arg6 : memref<128xi32, #tpu.memory_space<vmem>>) target_semaphore(%run_scoped3A : memref<!tpu.dma_semaphore, #tpu.memory_space<semaphore_mem>>)
      %dma_wait3A_74 = arith.constant 0 : i32
      %dma_wait3A_75 = tpu.memref_slice %arg2[%div3A_7, %add3A, %rem3A_10, %dma_wait3A_74] : memref<25x32x8x128xi32, #tpu.memory_space<hbm>> -> memref<1x1x1x128xi32, #tpu.memory_space<hbm>>
      %dma_wait3A_76 = tpu.memref_squeeze %dma_wait3A_75 : memref<1x1x1x128xi32, #tpu.memory_space<hbm>> -> memref<128xi32, #tpu.memory_space<hbm>>
      %dma_wait3A_77 = arith.constant 0 : i32
      %dma_wait3A_78 = tpu.memref_slice %arg2[%div3A_7, %add3A, %rem3A_10, %dma_wait3A_77] : memref<25x32x8x128xi32, #tpu.memory_space<hbm>> -> memref<1x1x1x128xi32, #tpu.memory_space<hbm>>
      %dma_wait3A_79 = tpu.memref_squeeze %dma_wait3A_78 : memref<1x1x1x128xi32, #tpu.memory_space<hbm>> -> memref<128xi32, #tpu.memory_space<hbm>>
      tpu.wait_dma2 semaphore(%run_scoped3A : memref<!tpu.dma_semaphore, #tpu.memory_space<semaphore_mem>>) src(%dma_wait3A_79 : memref<128xi32, #tpu.memory_space<hbm>>) dst(%arg6 : memref<128xi32, #tpu.memory_space<vmem>>)
      tpu.yield
    }) : () -> ()
    %div3A_11 = arith.constant 2 : i32
    %div3A_12 = arith.constant 8 : i32
    %div3A_13 = arith.divsi %div3A_11, %div3A_12 : i32
    %rem3A_14 = arith.constant 2 : i32
    %rem3A_15 = arith.constant 8 : i32
    %rem3A_16 = arith.remsi %rem3A_14, %rem3A_15 : i32
    %dma_start3A = arith.constant 0 : i32
    %dma_start3A_17 = tpu.memref_slice %arg2[%div3A_13, %add3A, %rem3A_16, %dma_start3A] : memref<25x32x8x128xi32, #tpu.memory_space<hbm>> -> memref<1x1x1x128xi32, #tpu.memory_space<hbm>>
    %dma_start3A_18 = tpu.memref_squeeze %dma_start3A_17 : memref<1x1x1x128xi32, #tpu.memory_space<hbm>> -> memref<128xi32, #tpu.memory_space<hbm>>
    %dma_start3A_19 = arith.constant 0 : i32
    %dma_start3A_20 = tpu.memref_slice %arg2[%div3A_13, %add3A, %rem3A_16, %dma_start3A_19] : memref<25x32x8x128xi32, #tpu.memory_space<hbm>> -> memref<1x1x1x128xi32, #tpu.memory_space<hbm>>
    %dma_start3A_21 = tpu.memref_squeeze %dma_start3A_20 : memref<1x1x1x128xi32, #tpu.memory_space<hbm>> -> memref<128xi32, #tpu.memory_space<hbm>>
    tpu.enqueue_dma source(%dma_start3A_21 : memref<128xi32, #tpu.memory_space<hbm>>) target(%arg7 : memref<128xi32, #tpu.memory_space<vmem>>) target_semaphore(%arg15 : memref<!tpu.dma_semaphore, #tpu.memory_space<semaphore_mem>>)
    %div3A_22 = arith.constant 3 : i32
    %div3A_23 = arith.constant 8 : i32
    %div3A_24 = arith.divsi %div3A_22, %div3A_23 : i32
    %rem3A_25 = arith.constant 3 : i32
    %rem3A_26 = arith.constant 8 : i32
    %rem3A_27 = arith.remsi %rem3A_25, %rem3A_26 : i32
    %dma_start3A_28 = arith.constant 0 : i32
    %dma_start3A_29 = tpu.memref_slice %arg2[%div3A_24, %add3A, %rem3A_27, %dma_start3A_28] : memref<25x32x8x128xi32, #tpu.memory_space<hbm>> -> memref<1x1x1x128xi32, #tpu.memory_space<hbm>>
    %dma_start3A_30 = tpu.memref_squeeze %dma_start3A_29 : memref<1x1x1x128xi32, #tpu.memory_space<hbm>> -> memref<128xi32, #tpu.memory_space<hbm>>
    %dma_start3A_31 = arith.constant 0 : i32
    %dma_start3A_32 = tpu.memref_slice %arg2[%div3A_24, %add3A, %rem3A_27, %dma_start3A_31] : memref<25x32x8x128xi32, #tpu.memory_space<hbm>> -> memref<1x1x1x128xi32, #tpu.memory_space<hbm>>
    %dma_start3A_33 = tpu.memref_squeeze %dma_start3A_32 : memref<1x1x1x128xi32, #tpu.memory_space<hbm>> -> memref<128xi32, #tpu.memory_space<hbm>>
    tpu.enqueue_dma source(%dma_start3A_33 : memref<128xi32, #tpu.memory_space<hbm>>) target(%arg8 : memref<128xi32, #tpu.memory_space<vmem>>) target_semaphore(%arg16 : memref<!tpu.dma_semaphore, #tpu.memory_space<semaphore_mem>>)
    %dma_start3A_34 = arith.constant 0 : i32
    %dma_start3A_35 = arith.constant 0 : i32
    %dma_start3A_36 = tpu.memref_slice %arg3[%dma_start3A_34, %dma_start3A_35] : memref<1000000x64xf32, #tpu.memory_space<hbm>> -> memref<1000000x64xf32, #tpu.memory_space<hbm>>
    tpu.enqueue_indirect_dma source(%dma_start3A_36 : memref<1000000x64xf32, #tpu.memory_space<hbm>>) target(%arg9 : memref<128x64xf32, #tpu.memory_space<vmem>>) offsets(%arg5 : memref<128xi32, #tpu.memory_space<vmem>>) semaphore(%arg17 : memref<!tpu.dma_semaphore, #tpu.memory_space<semaphore_mem>>)
    %dma_start3A_37 = arith.constant 0 : i32
    %dma_start3A_38 = arith.constant 0 : i32
    %dma_start3A_39 = tpu.memref_slice %arg3[%dma_start3A_37, %dma_start3A_38] : memref<1000000x64xf32, #tpu.memory_space<hbm>> -> memref<1000000x64xf32, #tpu.memory_space<hbm>>
    tpu.enqueue_indirect_dma source(%dma_start3A_39 : memref<1000000x64xf32, #tpu.memory_space<hbm>>) target(%arg10 : memref<128x64xf32, #tpu.memory_space<vmem>>) offsets(%arg6 : memref<128xi32, #tpu.memory_space<vmem>>) semaphore(%arg18 : memref<!tpu.dma_semaphore, #tpu.memory_space<semaphore_mem>>)
    %scan3A = arith.constant 0 : i32
    %scan3A_40 = arith.constant 0 : i32
    %scan3A_41 = arith.constant 50 : i32
    %scan3A_42 = arith.addi %scan3A_40, %scan3A_41 : i32
    %scan3A_43 = arith.constant 1 : i32
    scf.for %scan3A_68 = %scan3A_40 to %scan3A_42 step %scan3A_43  : i32 {
      %mul3A_69 = arith.constant 4 : i32
      %mul3A_70 = arith.muli %scan3A_68, %mul3A_69 : i32
      %add3A_71 = arith.constant 0 : i32
      %add3A_72 = arith.addi %mul3A_70, %add3A_71 : i32
      %dma_wait3A_73 = arith.constant 0 : i32
      %dma_wait3A_74 = arith.constant 0 : i32
      %dma_wait3A_75 = tpu.memref_slice %arg3[%dma_wait3A_73, %dma_wait3A_74] : memref<1000000x64xf32, #tpu.memory_space<hbm>> -> memref<128x64xf32, #tpu.memory_space<hbm>>
      %dma_wait3A_76 = arith.constant 0 : i32
      %dma_wait3A_77 = arith.constant 0 : i32
      %dma_wait3A_78 = tpu.memref_slice %arg3[%dma_wait3A_76, %dma_wait3A_77] : memref<1000000x64xf32, #tpu.memory_space<hbm>> -> memref<128x64xf32, #tpu.memory_space<hbm>>
      tpu.wait_dma2 semaphore(%arg17 : memref<!tpu.dma_semaphore, #tpu.memory_space<semaphore_mem>>) src(%dma_wait3A_78 : memref<128x64xf32, #tpu.memory_space<hbm>>) dst(%arg9 : memref<128x64xf32, #tpu.memory_space<vmem>>)
      %add3A_79 = arith.constant 4 : i32
      %add3A_80 = arith.addi %add3A_72, %add3A_79 : i32
      %lt3A = arith.constant 200 : i32
      %lt3A_81 = arith.cmpi slt, %add3A_80, %lt3A : i32
      %convert_element_type3A = arith.extui %lt3A_81 : i1 to i32
      %cond3A = arith.constant 0 : i32
      %cond3A_82 = arith.cmpi ne, %convert_element_type3A, %cond3A : i32
      scf.if %cond3A_82 {
        %add3A_231 = arith.constant 4 : i32
        %add3A_232 = arith.addi %add3A_72, %add3A_231 : i32
        %div3A_233 = arith.constant 8 : i32
        %div3A_234 = arith.divsi %add3A_232, %div3A_233 : i32
        %rem3A_235 = arith.constant 8 : i32
        %rem3A_236 = arith.remsi %add3A_232, %rem3A_235 : i32
        %dma_start3A_237 = arith.constant 0 : i32
        %dma_start3A_238 = tpu.memref_slice %arg2[%div3A_234, %add3A, %rem3A_236, %dma_start3A_237] : memref<25x32x8x128xi32, #tpu.memory_space<hbm>> -> memref<1x1x1x128xi32, #tpu.memory_space<hbm>>
        %dma_start3A_239 = tpu.memref_squeeze %dma_start3A_238 : memref<1x1x1x128xi32, #tpu.memory_space<hbm>> -> memref<128xi32, #tpu.memory_space<hbm>>
        %dma_start3A_240 = arith.constant 0 : i32
        %dma_start3A_241 = tpu.memref_slice %arg2[%div3A_234, %add3A, %rem3A_236, %dma_start3A_240] : memref<25x32x8x128xi32, #tpu.memory_space<hbm>> -> memref<1x1x1x128xi32, #tpu.memory_space<hbm>>
        %dma_start3A_242 = tpu.memref_squeeze %dma_start3A_241 : memref<1x1x1x128xi32, #tpu.memory_space<hbm>> -> memref<128xi32, #tpu.memory_space<hbm>>
        tpu.enqueue_dma source(%dma_start3A_242 : memref<128xi32, #tpu.memory_space<hbm>>) target(%arg5 : memref<128xi32, #tpu.memory_space<vmem>>) target_semaphore(%arg13 : memref<!tpu.dma_semaphore, #tpu.memory_space<semaphore_mem>>)
      } else {
      }
      %ge3A = arith.constant 4 : i32
      %ge3A_83 = arith.cmpi sge, %add3A_72, %ge3A : i32
      %convert_element_type3A_84 = arith.extui %ge3A_83 : i1 to i32
      %cond3A_85 = arith.constant 0 : i32
      %cond3A_86 = arith.cmpi ne, %convert_element_type3A_84, %cond3A_85 : i32
      scf.if %cond3A_86 {
        %dma_wait3A_231 = arith.constant 0 : i32
        %dma_wait3A_232 = arith.constant 0 : i32
        %dma_wait3A_233 = tpu.memref_slice %arg3[%dma_wait3A_231, %dma_wait3A_232] : memref<1000000x64xf32, #tpu.memory_space<hbm>> -> memref<128x64xf32, #tpu.memory_space<hbm>>
        %dma_wait3A_234 = arith.constant 0 : i32
        %dma_wait3A_235 = arith.constant 0 : i32
        %dma_wait3A_236 = tpu.memref_slice %arg3[%dma_wait3A_234, %dma_wait3A_235] : memref<1000000x64xf32, #tpu.memory_space<hbm>> -> memref<128x64xf32, #tpu.memory_space<hbm>>
        tpu.wait_dma2 semaphore(%arg21 : memref<!tpu.dma_semaphore, #tpu.memory_space<semaphore_mem>>) src(%dma_wait3A_236 : memref<128x64xf32, #tpu.memory_space<hbm>>) dst(%arg9 : memref<128x64xf32, #tpu.memory_space<vmem>>)
      } else {
      }
      %scan3A_87 = arith.constant 0 : i32
      %scan3A_88 = arith.constant 0 : i32
      %scan3A_89 = arith.constant 128 : i32
      %scan3A_90 = arith.addi %scan3A_88, %scan3A_89 : i32
      %scan3A_91 = arith.constant 4 : i32
      scf.for %scan3A_231 = %scan3A_88 to %scan3A_90 step %scan3A_91  : i32 {
        %get3A = arith.index_cast %scan3A_231 : i32 to index
        %get3A_232 = arith.constant 0 : index
        %get3A_233 = tpu.vector_load %arg9[%get3A, %get3A_232] {strides = array<i32>} : memref<128x64xf32, #tpu.memory_space<vmem>>, vector<1x16xf32>,
        %get3A_234 = vector.shape_cast %get3A_233 : vector<1x16xf32> to vector<16xf32>
        %mul3A_235 = arith.constant 8.000000e+00 : f32
        %mul3A_236 = vector.broadcast %mul3A_235 : f32 to vector<16xf32>
        %mul3A_237 = arith.mulf %get3A_234, %mul3A_236 : vector<16xf32>
        %swap3A = arith.index_cast %scan3A_231 : i32 to index
        %swap3A_238 = arith.constant 0 : index
        %swap3A_239 = tpu.vector_load %arg9[%swap3A, %swap3A_238] {strides = array<i32>} : memref<128x64xf32, #tpu.memory_space<vmem>>, vector<1x16xf32>,
        %swap3A_240 = vector.shape_cast %swap3A_239 : vector<1x16xf32> to vector<16xf32>
        %swap3A_241 = vector.shape_cast %mul3A_237 : vector<16xf32> to vector<1x16xf32>
        tpu.vector_store %arg9[%swap3A, %swap3A_238], %swap3A_241 {strides = array<i32>} : memref<128x64xf32, #tpu.memory_space<vmem>>, vector<1x16xf32>,
        %get3A_242 = arith.index_cast %scan3A_231 : i32 to index
        %get3A_243 = arith.constant 16 : index
        %get3A_244 = tpu.vector_load %arg9[%get3A_242, %get3A_243] {strides = array<i32>} : memref<128x64xf32, #tpu.memory_space<vmem>>, vector<1x16xf32>,
        %get3A_245 = vector.shape_cast %get3A_244 : vector<1x16xf32> to vector<16xf32>
        %mul3A_246 = arith.constant 8.000000e+00 : f32
        %mul3A_247 = vector.broadcast %mul3A_246 : f32 to vector<16xf32>
        %mul3A_248 = arith.mulf %get3A_245, %mul3A_247 : vector<16xf32>
        %swap3A_249 = arith.index_cast %scan3A_231 : i32 to index
        %swap3A_250 = arith.constant 16 : index
        %swap3A_251 = tpu.vector_load %arg9[%swap3A_249, %swap3A_250] {strides = array<i32>} : memref<128x64xf32, #tpu.memory_space<vmem>>, vector<1x16xf32>,
        %swap3A_252 = vector.shape_cast %swap3A_251 : vector<1x16xf32> to vector<16xf32>
        %swap3A_253 = vector.shape_cast %mul3A_248 : vector<16xf32> to vector<1x16xf32>
        tpu.vector_store %arg9[%swap3A_249, %swap3A_250], %swap3A_253 {strides = array<i32>} : memref<128x64xf32, #tpu.memory_space<vmem>>, vector<1x16xf32>,
        %get3A_254 = arith.index_cast %scan3A_231 : i32 to index
        %get3A_255 = arith.constant 32 : index
        %get3A_256 = tpu.vector_load %arg9[%get3A_254, %get3A_255] {strides = array<i32>} : memref<128x64xf32, #tpu.memory_space<vmem>>, vector<1x16xf32>,
        %get3A_257 = vector.shape_cast %get3A_256 : vector<1x16xf32> to vector<16xf32>
        %mul3A_258 = arith.constant 8.000000e+00 : f32
        %mul3A_259 = vector.broadcast %mul3A_258 : f32 to vector<16xf32>
        %mul3A_260 = arith.mulf %get3A_257, %mul3A_259 : vector<16xf32>
        %swap3A_261 = arith.index_cast %scan3A_231 : i32 to index
        %swap3A_262 = arith.constant 32 : index
        %swap3A_263 = tpu.vector_load %arg9[%swap3A_261, %swap3A_262] {strides = array<i32>} : memref<128x64xf32, #tpu.memory_space<vmem>>, vector<1x16xf32>,
        %swap3A_264 = vector.shape_cast %swap3A_263 : vector<1x16xf32> to vector<16xf32>
        %swap3A_265 = vector.shape_cast %mul3A_260 : vector<16xf32> to vector<1x16xf32>
        tpu.vector_store %arg9[%swap3A_261, %swap3A_262], %swap3A_265 {strides = array<i32>} : memref<128x64xf32, #tpu.memory_space<vmem>>, vector<1x16xf32>,
        %get3A_266 = arith.index_cast %scan3A_231 : i32 to index
        %get3A_267 = arith.constant 48 : index
        %get3A_268 = tpu.vector_load %arg9[%get3A_266, %get3A_267] {strides = array<i32>} : memref<128x64xf32, #tpu.memory_space<vmem>>, vector<1x16xf32>,
        %get3A_269 = vector.shape_cast %get3A_268 : vector<1x16xf32> to vector<16xf32>
        %mul3A_270 = arith.constant 8.000000e+00 : f32
        %mul3A_271 = vector.broadcast %mul3A_270 : f32 to vector<16xf32>
        %mul3A_272 = arith.mulf %get3A_269, %mul3A_271 : vector<16xf32>
        %swap3A_273 = arith.index_cast %scan3A_231 : i32 to index
        %swap3A_274 = arith.constant 48 : index
        %swap3A_275 = tpu.vector_load %arg9[%swap3A_273, %swap3A_274] {strides = array<i32>} : memref<128x64xf32, #tpu.memory_space<vmem>>, vector<1x16xf32>,
        %swap3A_276 = vector.shape_cast %swap3A_275 : vector<1x16xf32> to vector<16xf32>
        %swap3A_277 = vector.shape_cast %mul3A_272 : vector<16xf32> to vector<1x16xf32>
        tpu.vector_store %arg9[%swap3A_273, %swap3A_274], %swap3A_277 {strides = array<i32>} : memref<128x64xf32, #tpu.memory_space<vmem>>, vector<1x16xf32>,
        %scan3A_278 = arith.constant 1 : i32
        %scan3A_279 = arith.addi %scan3A_231, %scan3A_278 : i32
        %get3A_280 = arith.index_cast %scan3A_279 : i32 to index
        %get3A_281 = arith.constant 0 : index
        %get3A_282 = tpu.vector_load %arg9[%get3A_280, %get3A_281] {strides = array<i32>} : memref<128x64xf32, #tpu.memory_space<vmem>>, vector<1x16xf32>,
        %get3A_283 = vector.shape_cast %get3A_282 : vector<1x16xf32> to vector<16xf32>
        %mul3A_284 = arith.constant 8.000000e+00 : f32
        %mul3A_285 = vector.broadcast %mul3A_284 : f32 to vector<16xf32>
        %mul3A_286 = arith.mulf %get3A_283, %mul3A_285 : vector<16xf32>
        %swap3A_287 = arith.index_cast %scan3A_279 : i32 to index
        %swap3A_288 = arith.constant 0 : index
        %swap3A_289 = tpu.vector_load %arg9[%swap3A_287, %swap3A_288] {strides = array<i32>} : memref<128x64xf32, #tpu.memory_space<vmem>>, vector<1x16xf32>,
        %swap3A_290 = vector.shape_cast %swap3A_289 : vector<1x16xf32> to vector<16xf32>
        %swap3A_291 = vector.shape_cast %mul3A_286 : vector<16xf32> to vector<1x16xf32>
        tpu.vector_store %arg9[%swap3A_287, %swap3A_288], %swap3A_291 {strides = array<i32>} : memref<128x64xf32, #tpu.memory_space<vmem>>, vector<1x16xf32>,
        %get3A_292 = arith.index_cast %scan3A_279 : i32 to index
        %get3A_293 = arith.constant 16 : index
        %get3A_294 = tpu.vector_load %arg9[%get3A_292, %get3A_293] {strides = array<i32>} : memref<128x64xf32, #tpu.memory_space<vmem>>, vector<1x16xf32>,
        %get3A_295 = vector.shape_cast %get3A_294 : vector<1x16xf32> to vector<16xf32>
        %mul3A_296 = arith.constant 8.000000e+00 : f32
        %mul3A_297 = vector.broadcast %mul3A_296 : f32 to vector<16xf32>
        %mul3A_298 = arith.mulf %get3A_295, %mul3A_297 : vector<16xf32>
        %swap3A_299 = arith.index_cast %scan3A_279 : i32 to index
        %swap3A_300 = arith.constant 16 : index
        %swap3A_301 = tpu.vector_load %arg9[%swap3A_299, %swap3A_300] {strides = array<i32>} : memref<128x64xf32, #tpu.memory_space<vmem>>, vector<1x16xf32>,
        %swap3A_302 = vector.shape_cast %swap3A_301 : vector<1x16xf32> to vector<16xf32>
        %swap3A_303 = vector.shape_cast %mul3A_298 : vector<16xf32> to vector<1x16xf32>
        tpu.vector_store %arg9[%swap3A_299, %swap3A_300], %swap3A_303 {strides = array<i32>} : memref<128x64xf32, #tpu.memory_space<vmem>>, vector<1x16xf32>,
        %get3A_304 = arith.index_cast %scan3A_279 : i32 to index
        %get3A_305 = arith.constant 32 : index
        %get3A_306 = tpu.vector_load %arg9[%get3A_304, %get3A_305] {strides = array<i32>} : memref<128x64xf32, #tpu.memory_space<vmem>>, vector<1x16xf32>,
        %get3A_307 = vector.shape_cast %get3A_306 : vector<1x16xf32> to vector<16xf32>
        %mul3A_308 = arith.constant 8.000000e+00 : f32
        %mul3A_309 = vector.broadcast %mul3A_308 : f32 to vector<16xf32>
        %mul3A_310 = arith.mulf %get3A_307, %mul3A_309 : vector<16xf32>
        %swap3A_311 = arith.index_cast %scan3A_279 : i32 to index
        %swap3A_312 = arith.constant 32 : index
        %swap3A_313 = tpu.vector_load %arg9[%swap3A_311, %swap3A_312] {strides = array<i32>} : memref<128x64xf32, #tpu.memory_space<vmem>>, vector<1x16xf32>,
        %swap3A_314 = vector.shape_cast %swap3A_313 : vector<1x16xf32> to vector<16xf32>
        %swap3A_315 = vector.shape_cast %mul3A_310 : vector<16xf32> to vector<1x16xf32>
        tpu.vector_store %arg9[%swap3A_311, %swap3A_312], %swap3A_315 {strides = array<i32>} : memref<128x64xf32, #tpu.memory_space<vmem>>, vector<1x16xf32>,
        %get3A_316 = arith.index_cast %scan3A_279 : i32 to index
        %get3A_317 = arith.constant 48 : index
        %get3A_318 = tpu.vector_load %arg9[%get3A_316, %get3A_317] {strides = array<i32>} : memref<128x64xf32, #tpu.memory_space<vmem>>, vector<1x16xf32>,
        %get3A_319 = vector.shape_cast %get3A_318 : vector<1x16xf32> to vector<16xf32>
        %mul3A_320 = arith.constant 8.000000e+00 : f32
        %mul3A_321 = vector.broadcast %mul3A_320 : f32 to vector<16xf32>
        %mul3A_322 = arith.mulf %get3A_319, %mul3A_321 : vector<16xf32>
        %swap3A_323 = arith.index_cast %scan3A_279 : i32 to index
        %swap3A_324 = arith.constant 48 : index
        %swap3A_325 = tpu.vector_load %arg9[%swap3A_323, %swap3A_324] {strides = array<i32>} : memref<128x64xf32, #tpu.memory_space<vmem>>, vector<1x16xf32>,
        %swap3A_326 = vector.shape_cast %swap3A_325 : vector<1x16xf32> to vector<16xf32>
        %swap3A_327 = vector.shape_cast %mul3A_322 : vector<16xf32> to vector<1x16xf32>
        tpu.vector_store %arg9[%swap3A_323, %swap3A_324], %swap3A_327 {strides = array<i32>} : memref<128x64xf32, #tpu.memory_space<vmem>>, vector<1x16xf32>,
        %scan3A_328 = arith.constant 2 : i32
        %scan3A_329 = arith.addi %scan3A_231, %scan3A_328 : i32
        %get3A_330 = arith.index_cast %scan3A_329 : i32 to index
        %get3A_331 = arith.constant 0 : index
        %get3A_332 = tpu.vector_load %arg9[%get3A_330, %get3A_331] {strides = array<i32>} : memref<128x64xf32, #tpu.memory_space<vmem>>, vector<1x16xf32>,
        %get3A_333 = vector.shape_cast %get3A_332 : vector<1x16xf32> to vector<16xf32>
        %mul3A_334 = arith.constant 8.000000e+00 : f32
        %mul3A_335 = vector.broadcast %mul3A_334 : f32 to vector<16xf32>
        %mul3A_336 = arith.mulf %get3A_333, %mul3A_335 : vector<16xf32>
        %swap3A_337 = arith.index_cast %scan3A_329 : i32 to index
        %swap3A_338 = arith.constant 0 : index
        %swap3A_339 = tpu.vector_load %arg9[%swap3A_337, %swap3A_338] {strides = array<i32>} : memref<128x64xf32, #tpu.memory_space<vmem>>, vector<1x16xf32>,
        %swap3A_340 = vector.shape_cast %swap3A_339 : vector<1x16xf32> to vector<16xf32>
        %swap3A_341 = vector.shape_cast %mul3A_336 : vector<16xf32> to vector<1x16xf32>
        tpu.vector_store %arg9[%swap3A_337, %swap3A_338], %swap3A_341 {strides = array<i32>} : memref<128x64xf32, #tpu.memory_space<vmem>>, vector<1x16xf32>,
        %get3A_342 = arith.index_cast %scan3A_329 : i32 to index
        %get3A_343 = arith.constant 16 : index
        %get3A_344 = tpu.vector_load %arg9[%get3A_342, %get3A_343] {strides = array<i32>} : memref<128x64xf32, #tpu.memory_space<vmem>>, vector<1x16xf32>,
        %get3A_345 = vector.shape_cast %get3A_344 : vector<1x16xf32> to vector<16xf32>
        %mul3A_346 = arith.constant 8.000000e+00 : f32
        %mul3A_347 = vector.broadcast %mul3A_346 : f32 to vector<16xf32>
        %mul3A_348 = arith.mulf %get3A_345, %mul3A_347 : vector<16xf32>
        %swap3A_349 = arith.index_cast %scan3A_329 : i32 to index
        %swap3A_350 = arith.constant 16 : index
        %swap3A_351 = tpu.vector_load %arg9[%swap3A_349, %swap3A_350] {strides = array<i32>} : memref<128x64xf32, #tpu.memory_space<vmem>>, vector<1x16xf32>,
        %swap3A_352 = vector.shape_cast %swap3A_351 : vector<1x16xf32> to vector<16xf32>
        %swap3A_353 = vector.shape_cast %mul3A_348 : vector<16xf32> to vector<1x16xf32>
        tpu.vector_store %arg9[%swap3A_349, %swap3A_350], %swap3A_353 {strides = array<i32>} : memref<128x64xf32, #tpu.memory_space<vmem>>, vector<1x16xf32>,
        %get3A_354 = arith.index_cast %scan3A_329 : i32 to index
        %get3A_355 = arith.constant 32 : index
        %get3A_356 = tpu.vector_load %arg9[%get3A_354, %get3A_355] {strides = array<i32>} : memref<128x64xf32, #tpu.memory_space<vmem>>, vector<1x16xf32>,
        %get3A_357 = vector.shape_cast %get3A_356 : vector<1x16xf32> to vector<16xf32>
        %mul3A_358 = arith.constant 8.000000e+00 : f32
        %mul3A_359 = vector.broadcast %mul3A_358 : f32 to vector<16xf32>
        %mul3A_360 = arith.mulf %get3A_357, %mul3A_359 : vector<16xf32>
        %swap3A_361 = arith.index_cast %scan3A_329 : i32 to index
        %swap3A_362 = arith.constant 32 : index
        %swap3A_363 = tpu.vector_load %arg9[%swap3A_361, %swap3A_362] {strides = array<i32>} : memref<128x64xf32, #tpu.memory_space<vmem>>, vector<1x16xf32>,
        %swap3A_364 = vector.shape_cast %swap3A_363 : vector<1x16xf32> to vector<16xf32>
        %swap3A_365 = vector.shape_cast %mul3A_360 : vector<16xf32> to vector<1x16xf32>
        tpu.vector_store %arg9[%swap3A_361, %swap3A_362], %swap3A_365 {strides = array<i32>} : memref<128x64xf32, #tpu.memory_space<vmem>>, vector<1x16xf32>,
        %get3A_366 = arith.index_cast %scan3A_329 : i32 to index
        %get3A_367 = arith.constant 48 : index
        %get3A_368 = tpu.vector_load %arg9[%get3A_366, %get3A_367] {strides = array<i32>} : memref<128x64xf32, #tpu.memory_space<vmem>>, vector<1x16xf32>,
        %get3A_369 = vector.shape_cast %get3A_368 : vector<1x16xf32> to vector<16xf32>
        %mul3A_370 = arith.constant 8.000000e+00 : f32
        %mul3A_371 = vector.broadcast %mul3A_370 : f32 to vector<16xf32>
        %mul3A_372 = arith.mulf %get3A_369, %mul3A_371 : vector<16xf32>
        %swap3A_373 = arith.index_cast %scan3A_329 : i32 to index
        %swap3A_374 = arith.constant 48 : index
        %swap3A_375 = tpu.vector_load %arg9[%swap3A_373, %swap3A_374] {strides = array<i32>} : memref<128x64xf32, #tpu.memory_space<vmem>>, vector<1x16xf32>,
        %swap3A_376 = vector.shape_cast %swap3A_375 : vector<1x16xf32> to vector<16xf32>
        %swap3A_377 = vector.shape_cast %mul3A_372 : vector<16xf32> to vector<1x16xf32>
        tpu.vector_store %arg9[%swap3A_373, %swap3A_374], %swap3A_377 {strides = array<i32>} : memref<128x64xf32, #tpu.memory_space<vmem>>, vector<1x16xf32>,
        %scan3A_378 = arith.constant 3 : i32
        %scan3A_379 = arith.addi %scan3A_231, %scan3A_378 : i32
        %get3A_380 = arith.index_cast %scan3A_379 : i32 to index
        %get3A_381 = arith.constant 0 : index
        %get3A_382 = tpu.vector_load %arg9[%get3A_380, %get3A_381] {strides = array<i32>} : memref<128x64xf32, #tpu.memory_space<vmem>>, vector<1x16xf32>,
        %get3A_383 = vector.shape_cast %get3A_382 : vector<1x16xf32> to vector<16xf32>
        %mul3A_384 = arith.constant 8.000000e+00 : f32
        %mul3A_385 = vector.broadcast %mul3A_384 : f32 to vector<16xf32>
        %mul3A_386 = arith.mulf %get3A_383, %mul3A_385 : vector<16xf32>
        %swap3A_387 = arith.index_cast %scan3A_379 : i32 to index
        %swap3A_388 = arith.constant 0 : index
        %swap3A_389 = tpu.vector_load %arg9[%swap3A_387, %swap3A_388] {strides = array<i32>} : memref<128x64xf32, #tpu.memory_space<vmem>>, vector<1x16xf32>,
        %swap3A_390 = vector.shape_cast %swap3A_389 : vector<1x16xf32> to vector<16xf32>
        %swap3A_391 = vector.shape_cast %mul3A_386 : vector<16xf32> to vector<1x16xf32>
        tpu.vector_store %arg9[%swap3A_387, %swap3A_388], %swap3A_391 {strides = array<i32>} : memref<128x64xf32, #tpu.memory_space<vmem>>, vector<1x16xf32>,
        %get3A_392 = arith.index_cast %scan3A_379 : i32 to index
        %get3A_393 = arith.constant 16 : index
        %get3A_394 = tpu.vector_load %arg9[%get3A_392, %get3A_393] {strides = array<i32>} : memref<128x64xf32, #tpu.memory_space<vmem>>, vector<1x16xf32>,
        %get3A_395 = vector.shape_cast %get3A_394 : vector<1x16xf32> to vector<16xf32>
        %mul3A_396 = arith.constant 8.000000e+00 : f32
        %mul3A_397 = vector.broadcast %mul3A_396 : f32 to vector<16xf32>
        %mul3A_398 = arith.mulf %get3A_395, %mul3A_397 : vector<16xf32>
        %swap3A_399 = arith.index_cast %scan3A_379 : i32 to index
        %swap3A_400 = arith.constant 16 : index
        %swap3A_401 = tpu.vector_load %arg9[%swap3A_399, %swap3A_400] {strides = array<i32>} : memref<128x64xf32, #tpu.memory_space<vmem>>, vector<1x16xf32>,
        %swap3A_402 = vector.shape_cast %swap3A_401 : vector<1x16xf32> to vector<16xf32>
        %swap3A_403 = vector.shape_cast %mul3A_398 : vector<16xf32> to vector<1x16xf32>
        tpu.vector_store %arg9[%swap3A_399, %swap3A_400], %swap3A_403 {strides = array<i32>} : memref<128x64xf32, #tpu.memory_space<vmem>>, vector<1x16xf32>,
        %get3A_404 = arith.index_cast %scan3A_379 : i32 to index
        %get3A_405 = arith.constant 32 : index
        %get3A_406 = tpu.vector_load %arg9[%get3A_404, %get3A_405] {strides = array<i32>} : memref<128x64xf32, #tpu.memory_space<vmem>>, vector<1x16xf32>,
        %get3A_407 = vector.shape_cast %get3A_406 : vector<1x16xf32> to vector<16xf32>
        %mul3A_408 = arith.constant 8.000000e+00 : f32
        %mul3A_409 = vector.broadcast %mul3A_408 : f32 to vector<16xf32>
        %mul3A_410 = arith.mulf %get3A_407, %mul3A_409 : vector<16xf32>
        %swap3A_411 = arith.index_cast %scan3A_379 : i32 to index
        %swap3A_412 = arith.constant 32 : index
        %swap3A_413 = tpu.vector_load %arg9[%swap3A_411, %swap3A_412] {strides = array<i32>} : memref<128x64xf32, #tpu.memory_space<vmem>>, vector<1x16xf32>,
        %swap3A_414 = vector.shape_cast %swap3A_413 : vector<1x16xf32> to vector<16xf32>
        %swap3A_415 = vector.shape_cast %mul3A_410 : vector<16xf32> to vector<1x16xf32>
        tpu.vector_store %arg9[%swap3A_411, %swap3A_412], %swap3A_415 {strides = array<i32>} : memref<128x64xf32, #tpu.memory_space<vmem>>, vector<1x16xf32>,
        %get3A_416 = arith.index_cast %scan3A_379 : i32 to index
        %get3A_417 = arith.constant 48 : index
        %get3A_418 = tpu.vector_load %arg9[%get3A_416, %get3A_417] {strides = array<i32>} : memref<128x64xf32, #tpu.memory_space<vmem>>, vector<1x16xf32>,
        %get3A_419 = vector.shape_cast %get3A_418 : vector<1x16xf32> to vector<16xf32>
        %mul3A_420 = arith.constant 8.000000e+00 : f32
        %mul3A_421 = vector.broadcast %mul3A_420 : f32 to vector<16xf32>
        %mul3A_422 = arith.mulf %get3A_419, %mul3A_421 : vector<16xf32>
        %swap3A_423 = arith.index_cast %scan3A_379 : i32 to index
        %swap3A_424 = arith.constant 48 : index
        %swap3A_425 = tpu.vector_load %arg9[%swap3A_423, %swap3A_424] {strides = array<i32>} : memref<128x64xf32, #tpu.memory_space<vmem>>, vector<1x16xf32>,
        %swap3A_426 = vector.shape_cast %swap3A_425 : vector<1x16xf32> to vector<16xf32>
        %swap3A_427 = vector.shape_cast %mul3A_422 : vector<16xf32> to vector<1x16xf32>
        tpu.vector_store %arg9[%swap3A_423, %swap3A_424], %swap3A_427 {strides = array<i32>} : memref<128x64xf32, #tpu.memory_space<vmem>>, vector<1x16xf32>,
      }
      %scan3A_92 = arith.constant 128 : i32
      %mul3A_93 = arith.constant 128 : i32
      %mul3A_94 = arith.muli %add3A, %mul3A_93 : i32
      %dma_start3A_95 = arith.constant 0 : i32
      %dma_start3A_96 = tpu.memref_slice %arg4[%mul3A_94, %add3A_72, %dma_start3A_95] : memref<4096x200x64xf32, #tpu.memory_space<hbm>> -> memref<128x1x64xf32, #tpu.memory_space<hbm>>
      %dma_start3A_97 = tpu.memref_squeeze %dma_start3A_96 : memref<128x1x64xf32, #tpu.memory_space<hbm>> -> memref<128x64xf32, #tpu.memory_space<hbm>>
      %dma_start3A_98 = arith.constant 0 : i32
      %dma_start3A_99 = tpu.memref_slice %arg4[%mul3A_94, %add3A_72, %dma_start3A_98] : memref<4096x200x64xf32, #tpu.memory_space<hbm>> -> memref<128x1x64xf32, #tpu.memory_space<hbm>>
      %dma_start3A_100 = tpu.memref_squeeze %dma_start3A_99 : memref<128x1x64xf32, #tpu.memory_space<hbm>> -> memref<128x64xf32, #tpu.memory_space<hbm>>
      tpu.enqueue_dma source(%arg9 : memref<128x64xf32, #tpu.memory_space<vmem>>) target(%dma_start3A_100 : memref<128x64xf32, #tpu.memory_space<hbm>>) target_semaphore(%arg21 : memref<!tpu.dma_semaphore, #tpu.memory_space<semaphore_mem>>)
      %add3A_101 = arith.constant 2 : i32
      %add3A_102 = arith.addi %add3A_72, %add3A_101 : i32
      %lt3A_103 = arith.constant 200 : i32
      %lt3A_104 = arith.cmpi slt, %add3A_102, %lt3A_103 : i32
      %convert_element_type3A_105 = arith.extui %lt3A_104 : i1 to i32
      %cond3A_106 = arith.constant 0 : i32
      %cond3A_107 = arith.cmpi ne, %convert_element_type3A_105, %cond3A_106 : i32
      scf.if %cond3A_107 {
        %dma_wait3A_231 = arith.constant 0 : i32
        %dma_wait3A_232 = arith.constant 0 : i32
        %dma_wait3A_233 = arith.constant 0 : i32
        %dma_wait3A_234 = arith.constant 0 : i32
        %dma_wait3A_235 = tpu.memref_slice %arg2[%dma_wait3A_231, %dma_wait3A_232, %dma_wait3A_233, %dma_wait3A_234] : memref<25x32x8x128xi32, #tpu.memory_space<hbm>> -> memref<1x1x1x128xi32, #tpu.memory_space<hbm>>
        %dma_wait3A_236 = tpu.memref_squeeze %dma_wait3A_235 : memref<1x1x1x128xi32, #tpu.memory_space<hbm>> -> memref<128xi32, #tpu.memory_space<hbm>>
        %dma_wait3A_237 = arith.constant 0 : i32
        %dma_wait3A_238 = tpu.memref_slice %arg2[%dma_wait3A_231, %dma_wait3A_232, %dma_wait3A_233, %dma_wait3A_237] : memref<25x32x8x128xi32, #tpu.memory_space<hbm>> -> memref<1x1x1x128xi32, #tpu.memory_space<hbm>>
        %dma_wait3A_239 = tpu.memref_squeeze %dma_wait3A_238 : memref<1x1x1x128xi32, #tpu.memory_space<hbm>> -> memref<128xi32, #tpu.memory_space<hbm>>
        tpu.wait_dma2 semaphore(%arg15 : memref<!tpu.dma_semaphore, #tpu.memory_space<semaphore_mem>>) src(%dma_wait3A_239 : memref<128xi32, #tpu.memory_space<hbm>>) dst(%arg7 : memref<128xi32, #tpu.memory_space<vmem>>)
        %dma_start3A_240 = arith.constant 0 : i32
        %dma_start3A_241 = arith.constant 0 : i32
        %dma_start3A_242 = tpu.memref_slice %arg3[%dma_start3A_240, %dma_start3A_241] : memref<1000000x64xf32, #tpu.memory_space<hbm>> -> memref<1000000x64xf32, #tpu.memory_space<hbm>>
        tpu.enqueue_indirect_dma source(%dma_start3A_242 : memref<1000000x64xf32, #tpu.memory_space<hbm>>) target(%arg11 : memref<128x64xf32, #tpu.memory_space<vmem>>) offsets(%arg7 : memref<128xi32, #tpu.memory_space<vmem>>) semaphore(%arg19 : memref<!tpu.dma_semaphore, #tpu.memory_space<semaphore_mem>>)
      } else {
      }
      %add3A_108 = arith.constant 1 : i32
      %add3A_109 = arith.addi %mul3A_70, %add3A_108 : i32
      %dma_wait3A_110 = arith.constant 0 : i32
      %dma_wait3A_111 = arith.constant 0 : i32
      %dma_wait3A_112 = tpu.memref_slice %arg3[%dma_wait3A_110, %dma_wait3A_111] : memref<1000000x64xf32, #tpu.memory_space<hbm>> -> memref<128x64xf32, #tpu.memory_space<hbm>>
      %dma_wait3A_113 = arith.constant 0 : i32
      %dma_wait3A_114 = arith.constant 0 : i32
      %dma_wait3A_115 = tpu.memref_slice %arg3[%dma_wait3A_113, %dma_wait3A_114] : memref<1000000x64xf32, #tpu.memory_space<hbm>> -> memref<128x64xf32, #tpu.memory_space<hbm>>
      tpu.wait_dma2 semaphore(%arg18 : memref<!tpu.dma_semaphore, #tpu.memory_space<semaphore_mem>>) src(%dma_wait3A_115 : memref<128x64xf32, #tpu.memory_space<hbm>>) dst(%arg10 : memref<128x64xf32, #tpu.memory_space<vmem>>)
      %add3A_116 = arith.constant 4 : i32
      %add3A_117 = arith.addi %add3A_109, %add3A_116 : i32
      %lt3A_118 = arith.constant 200 : i32
      %lt3A_119 = arith.cmpi slt, %add3A_117, %lt3A_118 : i32
      %convert_element_type3A_120 = arith.extui %lt3A_119 : i1 to i32
      %cond3A_121 = arith.constant 0 : i32
      %cond3A_122 = arith.cmpi ne, %convert_element_type3A_120, %cond3A_121 : i32
      scf.if %cond3A_122 {
        %add3A_231 = arith.constant 4 : i32
        %add3A_232 = arith.addi %add3A_109, %add3A_231 : i32
        %div3A_233 = arith.constant 8 : i32
        %div3A_234 = arith.divsi %add3A_232, %div3A_233 : i32
        %rem3A_235 = arith.constant 8 : i32
        %rem3A_236 = arith.remsi %add3A_232, %rem3A_235 : i32
        %dma_start3A_237 = arith.constant 0 : i32
        %dma_start3A_238 = tpu.memref_slice %arg2[%div3A_234, %add3A, %rem3A_236, %dma_start3A_237] : memref<25x32x8x128xi32, #tpu.memory_space<hbm>> -> memref<1x1x1x128xi32, #tpu.memory_space<hbm>>
        %dma_start3A_239 = tpu.memref_squeeze %dma_start3A_238 : memref<1x1x1x128xi32, #tpu.memory_space<hbm>> -> memref<128xi32, #tpu.memory_space<hbm>>
        %dma_start3A_240 = arith.constant 0 : i32
        %dma_start3A_241 = tpu.memref_slice %arg2[%div3A_234, %add3A, %rem3A_236, %dma_start3A_240] : memref<25x32x8x128xi32, #tpu.memory_space<hbm>> -> memref<1x1x1x128xi32, #tpu.memory_space<hbm>>
        %dma_start3A_242 = tpu.memref_squeeze %dma_start3A_241 : memref<1x1x1x128xi32, #tpu.memory_space<hbm>> -> memref<128xi32, #tpu.memory_space<hbm>>
        tpu.enqueue_dma source(%dma_start3A_242 : memref<128xi32, #tpu.memory_space<hbm>>) target(%arg6 : memref<128xi32, #tpu.memory_space<vmem>>) target_semaphore(%arg14 : memref<!tpu.dma_semaphore, #tpu.memory_space<semaphore_mem>>)
      } else {
      }
      %ge3A_123 = arith.constant 4 : i32
      %ge3A_124 = arith.cmpi sge, %add3A_109, %ge3A_123 : i32
      %convert_element_type3A_125 = arith.extui %ge3A_124 : i1 to i32
      %cond3A_126 = arith.constant 0 : i32
      %cond3A_127 = arith.cmpi ne, %convert_element_type3A_125, %cond3A_126 : i32
      scf.if %cond3A_127 {
        %dma_wait3A_231 = arith.constant 0 : i32
        %dma_wait3A_232 = arith.constant 0 : i32
        %dma_wait3A_233 = tpu.memref_slice %arg3[%dma_wait3A_231, %dma_wait3A_232] : memref<1000000x64xf32, #tpu.memory_space<hbm>> -> memref<128x64xf32, #tpu.memory_space<hbm>>
        %dma_wait3A_234 = arith.constant 0 : i32
        %dma_wait3A_235 = arith.constant 0 : i32
        %dma_wait3A_236 = tpu.memref_slice %arg3[%dma_wait3A_234, %dma_wait3A_235] : memref<1000000x64xf32, #tpu.memory_space<hbm>> -> memref<128x64xf32, #tpu.memory_space<hbm>>
        tpu.wait_dma2 semaphore(%arg22 : memref<!tpu.dma_semaphore, #tpu.memory_space<semaphore_mem>>) src(%dma_wait3A_236 : memref<128x64xf32, #tpu.memory_space<hbm>>) dst(%arg10 : memref<128x64xf32, #tpu.memory_space<vmem>>)
      } else {
      }
      %scan3A_128 = arith.constant 0 : i32
      %scan3A_129 = arith.constant 0 : i32
      %scan3A_130 = arith.constant 128 : i32
      %scan3A_131 = arith.addi %scan3A_129, %scan3A_130 : i32
      %scan3A_132 = arith.constant 4 : i32
      scf.for %scan3A_231 = %scan3A_129 to %scan3A_131 step %scan3A_132  : i32 {
        %get3A = arith.index_cast %scan3A_231 : i32 to index
        %get3A_232 = arith.constant 0 : index
        %get3A_233 = tpu.vector_load %arg10[%get3A, %get3A_232] {strides = array<i32>} : memref<128x64xf32, #tpu.memory_space<vmem>>, vector<1x16xf32>,
        %get3A_234 = vector.shape_cast %get3A_233 : vector<1x16xf32> to vector<16xf32>
        %mul3A_235 = arith.constant 8.000000e+00 : f32
        %mul3A_236 = vector.broadcast %mul3A_235 : f32 to vector<16xf32>
        %mul3A_237 = arith.mulf %get3A_234, %mul3A_236 : vector<16xf32>
        %swap3A = arith.index_cast %scan3A_231 : i32 to index
        %swap3A_238 = arith.constant 0 : index
        %swap3A_239 = tpu.vector_load %arg10[%swap3A, %swap3A_238] {strides = array<i32>} : memref<128x64xf32, #tpu.memory_space<vmem>>, vector<1x16xf32>,
        %swap3A_240 = vector.shape_cast %swap3A_239 : vector<1x16xf32> to vector<16xf32>
        %swap3A_241 = vector.shape_cast %mul3A_237 : vector<16xf32> to vector<1x16xf32>
        tpu.vector_store %arg10[%swap3A, %swap3A_238], %swap3A_241 {strides = array<i32>} : memref<128x64xf32, #tpu.memory_space<vmem>>, vector<1x16xf32>,
        %get3A_242 = arith.index_cast %scan3A_231 : i32 to index
        %get3A_243 = arith.constant 16 : index
        %get3A_244 = tpu.vector_load %arg10[%get3A_242, %get3A_243] {strides = array<i32>} : memref<128x64xf32, #tpu.memory_space<vmem>>, vector<1x16xf32>,
        %get3A_245 = vector.shape_cast %get3A_244 : vector<1x16xf32> to vector<16xf32>
        %mul3A_246 = arith.constant 8.000000e+00 : f32
        %mul3A_247 = vector.broadcast %mul3A_246 : f32 to vector<16xf32>
        %mul3A_248 = arith.mulf %get3A_245, %mul3A_247 : vector<16xf32>
        %swap3A_249 = arith.index_cast %scan3A_231 : i32 to index
        %swap3A_250 = arith.constant 16 : index
        %swap3A_251 = tpu.vector_load %arg10[%swap3A_249, %swap3A_250] {strides = array<i32>} : memref<128x64xf32, #tpu.memory_space<vmem>>, vector<1x16xf32>,
        %swap3A_252 = vector.shape_cast %swap3A_251 : vector<1x16xf32> to vector<16xf32>
        %swap3A_253 = vector.shape_cast %mul3A_248 : vector<16xf32> to vector<1x16xf32>
        tpu.vector_store %arg10[%swap3A_249, %swap3A_250], %swap3A_253 {strides = array<i32>} : memref<128x64xf32, #tpu.memory_space<vmem>>, vector<1x16xf32>,
        %get3A_254 = arith.index_cast %scan3A_231 : i32 to index
        %get3A_255 = arith.constant 32 : index
        %get3A_256 = tpu.vector_load %arg10[%get3A_254, %get3A_255] {strides = array<i32>} : memref<128x64xf32, #tpu.memory_space<vmem>>, vector<1x16xf32>,
        %get3A_257 = vector.shape_cast %get3A_256 : vector<1x16xf32> to vector<16xf32>
        %mul3A_258 = arith.constant 8.000000e+00 : f32
        %mul3A_259 = vector.broadcast %mul3A_258 : f32 to vector<16xf32>
        %mul3A_260 = arith.mulf %get3A_257, %mul3A_259 : vector<16xf32>
        %swap3A_261 = arith.index_cast %scan3A_231 : i32 to index
        %swap3A_262 = arith.constant 32 : index
        %swap3A_263 = tpu.vector_load %arg10[%swap3A_261, %swap3A_262] {strides = array<i32>} : memref<128x64xf32, #tpu.memory_space<vmem>>, vector<1x16xf32>,
        %swap3A_264 = vector.shape_cast %swap3A_263 : vector<1x16xf32> to vector<16xf32>
        %swap3A_265 = vector.shape_cast %mul3A_260 : vector<16xf32> to vector<1x16xf32>
        tpu.vector_store %arg10[%swap3A_261, %swap3A_262], %swap3A_265 {strides = array<i32>} : memref<128x64xf32, #tpu.memory_space<vmem>>, vector<1x16xf32>,
        %get3A_266 = arith.index_cast %scan3A_231 : i32 to index
        %get3A_267 = arith.constant 48 : index
        %get3A_268 = tpu.vector_load %arg10[%get3A_266, %get3A_267] {strides = array<i32>} : memref<128x64xf32, #tpu.memory_space<vmem>>, vector<1x16xf32>,
        %get3A_269 = vector.shape_cast %get3A_268 : vector<1x16xf32> to vector<16xf32>
        %mul3A_270 = arith.constant 8.000000e+00 : f32
        %mul3A_271 = vector.broadcast %mul3A_270 : f32 to vector<16xf32>
        %mul3A_272 = arith.mulf %get3A_269, %mul3A_271 : vector<16xf32>
        %swap3A_273 = arith.index_cast %scan3A_231 : i32 to index
        %swap3A_274 = arith.constant 48 : index
        %swap3A_275 = tpu.vector_load %arg10[%swap3A_273, %swap3A_274] {strides = array<i32>} : memref<128x64xf32, #tpu.memory_space<vmem>>, vector<1x16xf32>,
        %swap3A_276 = vector.shape_cast %swap3A_275 : vector<1x16xf32> to vector<16xf32>
        %swap3A_277 = vector.shape_cast %mul3A_272 : vector<16xf32> to vector<1x16xf32>
        tpu.vector_store %arg10[%swap3A_273, %swap3A_274], %swap3A_277 {strides = array<i32>} : memref<128x64xf32, #tpu.memory_space<vmem>>, vector<1x16xf32>,
        %scan3A_278 = arith.constant 1 : i32
        %scan3A_279 = arith.addi %scan3A_231, %scan3A_278 : i32
        %get3A_280 = arith.index_cast %scan3A_279 : i32 to index
        %get3A_281 = arith.constant 0 : index
        %get3A_282 = tpu.vector_load %arg10[%get3A_280, %get3A_281] {strides = array<i32>} : memref<128x64xf32, #tpu.memory_space<vmem>>, vector<1x16xf32>,
        %get3A_283 = vector.shape_cast %get3A_282 : vector<1x16xf32> to vector<16xf32>
        %mul3A_284 = arith.constant 8.000000e+00 : f32
        %mul3A_285 = vector.broadcast %mul3A_284 : f32 to vector<16xf32>
        %mul3A_286 = arith.mulf %get3A_283, %mul3A_285 : vector<16xf32>
        %swap3A_287 = arith.index_cast %scan3A_279 : i32 to index
        %swap3A_288 = arith.constant 0 : index
        %swap3A_289 = tpu.vector_load %arg10[%swap3A_287, %swap3A_288] {strides = array<i32>} : memref<128x64xf32, #tpu.memory_space<vmem>>, vector<1x16xf32>,
        %swap3A_290 = vector.shape_cast %swap3A_289 : vector<1x16xf32> to vector<16xf32>
        %swap3A_291 = vector.shape_cast %mul3A_286 : vector<16xf32> to vector<1x16xf32>
        tpu.vector_store %arg10[%swap3A_287, %swap3A_288], %swap3A_291 {strides = array<i32>} : memref<128x64xf32, #tpu.memory_space<vmem>>, vector<1x16xf32>,
        %get3A_292 = arith.index_cast %scan3A_279 : i32 to index
        %get3A_293 = arith.constant 16 : index
        %get3A_294 = tpu.vector_load %arg10[%get3A_292, %get3A_293] {strides = array<i32>} : memref<128x64xf32, #tpu.memory_space<vmem>>, vector<1x16xf32>,
        %get3A_295 = vector.shape_cast %get3A_294 : vector<1x16xf32> to vector<16xf32>
        %mul3A_296 = arith.constant 8.000000e+00 : f32
        %mul3A_297 = vector.broadcast %mul3A_296 : f32 to vector<16xf32>
        %mul3A_298 = arith.mulf %get3A_295, %mul3A_297 : vector<16xf32>
        %swap3A_299 = arith.index_cast %scan3A_279 : i32 to index
        %swap3A_300 = arith.constant 16 : index
        %swap3A_301 = tpu.vector_load %arg10[%swap3A_299, %swap3A_300] {strides = array<i32>} : memref<128x64xf32, #tpu.memory_space<vmem>>, vector<1x16xf32>,
        %swap3A_302 = vector.shape_cast %swap3A_301 : vector<1x16xf32> to vector<16xf32>
        %swap3A_303 = vector.shape_cast %mul3A_298 : vector<16xf32> to vector<1x16xf32>
        tpu.vector_store %arg10[%swap3A_299, %swap3A_300], %swap3A_303 {strides = array<i32>} : memref<128x64xf32, #tpu.memory_space<vmem>>, vector<1x16xf32>,
        %get3A_304 = arith.index_cast %scan3A_279 : i32 to index
        %get3A_305 = arith.constant 32 : index
        %get3A_306 = tpu.vector_load %arg10[%get3A_304, %get3A_305] {strides = array<i32>} : memref<128x64xf32, #tpu.memory_space<vmem>>, vector<1x16xf32>,
        %get3A_307 = vector.shape_cast %get3A_306 : vector<1x16xf32> to vector<16xf32>
        %mul3A_308 = arith.constant 8.000000e+00 : f32
        %mul3A_309 = vector.broadcast %mul3A_308 : f32 to vector<16xf32>
        %mul3A_310 = arith.mulf %get3A_307, %mul3A_309 : vector<16xf32>
        %swap3A_311 = arith.index_cast %scan3A_279 : i32 to index
        %swap3A_312 = arith.constant 32 : index
        %swap3A_313 = tpu.vector_load %arg10[%swap3A_311, %swap3A_312] {strides = array<i32>} : memref<128x64xf32, #tpu.memory_space<vmem>>, vector<1x16xf32>,
        %swap3A_314 = vector.shape_cast %swap3A_313 : vector<1x16xf32> to vector<16xf32>
        %swap3A_315 = vector.shape_cast %mul3A_310 : vector<16xf32> to vector<1x16xf32>
        tpu.vector_store %arg10[%swap3A_311, %swap3A_312], %swap3A_315 {strides = array<i32>} : memref<128x64xf32, #tpu.memory_space<vmem>>, vector<1x16xf32>,
        %get3A_316 = arith.index_cast %scan3A_279 : i32 to index
        %get3A_317 = arith.constant 48 : index
        %get3A_318 = tpu.vector_load %arg10[%get3A_316, %get3A_317] {strides = array<i32>} : memref<128x64xf32, #tpu.memory_space<vmem>>, vector<1x16xf32>,
        %get3A_319 = vector.shape_cast %get3A_318 : vector<1x16xf32> to vector<16xf32>
        %mul3A_320 = arith.constant 8.000000e+00 : f32
        %mul3A_321 = vector.broadcast %mul3A_320 : f32 to vector<16xf32>
        %mul3A_322 = arith.mulf %get3A_319, %mul3A_321 : vector<16xf32>
        %swap3A_323 = arith.index_cast %scan3A_279 : i32 to index
        %swap3A_324 = arith.constant 48 : index
        %swap3A_325 = tpu.vector_load %arg10[%swap3A_323, %swap3A_324] {strides = array<i32>} : memref<128x64xf32, #tpu.memory_space<vmem>>, vector<1x16xf32>,
        %swap3A_326 = vector.shape_cast %swap3A_325 : vector<1x16xf32> to vector<16xf32>
        %swap3A_327 = vector.shape_cast %mul3A_322 : vector<16xf32> to vector<1x16xf32>
        tpu.vector_store %arg10[%swap3A_323, %swap3A_324], %swap3A_327 {strides = array<i32>} : memref<128x64xf32, #tpu.memory_space<vmem>>, vector<1x16xf32>,
        %scan3A_328 = arith.constant 2 : i32
        %scan3A_329 = arith.addi %scan3A_231, %scan3A_328 : i32
        %get3A_330 = arith.index_cast %scan3A_329 : i32 to index
        %get3A_331 = arith.constant 0 : index
        %get3A_332 = tpu.vector_load %arg10[%get3A_330, %get3A_331] {strides = array<i32>} : memref<128x64xf32, #tpu.memory_space<vmem>>, vector<1x16xf32>,
        %get3A_333 = vector.shape_cast %get3A_332 : vector<1x16xf32> to vector<16xf32>
        %mul3A_334 = arith.constant 8.000000e+00 : f32
        %mul3A_335 = vector.broadcast %mul3A_334 : f32 to vector<16xf32>
        %mul3A_336 = arith.mulf %get3A_333, %mul3A_335 : vector<16xf32>
        %swap3A_337 = arith.index_cast %scan3A_329 : i32 to index
        %swap3A_338 = arith.constant 0 : index
        %swap3A_339 = tpu.vector_load %arg10[%swap3A_337, %swap3A_338] {strides = array<i32>} : memref<128x64xf32, #tpu.memory_space<vmem>>, vector<1x16xf32>,
        %swap3A_340 = vector.shape_cast %swap3A_339 : vector<1x16xf32> to vector<16xf32>
        %swap3A_341 = vector.shape_cast %mul3A_336 : vector<16xf32> to vector<1x16xf32>
        tpu.vector_store %arg10[%swap3A_337, %swap3A_338], %swap3A_341 {strides = array<i32>} : memref<128x64xf32, #tpu.memory_space<vmem>>, vector<1x16xf32>,
        %get3A_342 = arith.index_cast %scan3A_329 : i32 to index
        %get3A_343 = arith.constant 16 : index
        %get3A_344 = tpu.vector_load %arg10[%get3A_342, %get3A_343] {strides = array<i32>} : memref<128x64xf32, #tpu.memory_space<vmem>>, vector<1x16xf32>,
        %get3A_345 = vector.shape_cast %get3A_344 : vector<1x16xf32> to vector<16xf32>
        %mul3A_346 = arith.constant 8.000000e+00 : f32
        %mul3A_347 = vector.broadcast %mul3A_346 : f32 to vector<16xf32>
        %mul3A_348 = arith.mulf %get3A_345, %mul3A_347 : vector<16xf32>
        %swap3A_349 = arith.index_cast %scan3A_329 : i32 to index
        %swap3A_350 = arith.constant 16 : index
        %swap3A_351 = tpu.vector_load %arg10[%swap3A_349, %swap3A_350] {strides = array<i32>} : memref<128x64xf32, #tpu.memory_space<vmem>>, vector<1x16xf32>,
        %swap3A_352 = vector.shape_cast %swap3A_351 : vector<1x16xf32> to vector<16xf32>
        %swap3A_353 = vector.shape_cast %mul3A_348 : vector<16xf32> to vector<1x16xf32>
        tpu.vector_store %arg10[%swap3A_349, %swap3A_350], %swap3A_353 {strides = array<i32>} : memref<128x64xf32, #tpu.memory_space<vmem>>, vector<1x16xf32>,
        %get3A_354 = arith.index_cast %scan3A_329 : i32 to index
        %get3A_355 = arith.constant 32 : index
        %get3A_356 = tpu.vector_load %arg10[%get3A_354, %get3A_355] {strides = array<i32>} : memref<128x64xf32, #tpu.memory_space<vmem>>, vector<1x16xf32>,
        %get3A_357 = vector.shape_cast %get3A_356 : vector<1x16xf32> to vector<16xf32>
        %mul3A_358 = arith.constant 8.000000e+00 : f32
        %mul3A_359 = vector.broadcast %mul3A_358 : f32 to vector<16xf32>
        %mul3A_360 = arith.mulf %get3A_357, %mul3A_359 : vector<16xf32>
        %swap3A_361 = arith.index_cast %scan3A_329 : i32 to index
        %swap3A_362 = arith.constant 32 : index
        %swap3A_363 = tpu.vector_load %arg10[%swap3A_361, %swap3A_362] {strides = array<i32>} : memref<128x64xf32, #tpu.memory_space<vmem>>, vector<1x16xf32>,
        %swap3A_364 = vector.shape_cast %swap3A_363 : vector<1x16xf32> to vector<16xf32>
        %swap3A_365 = vector.shape_cast %mul3A_360 : vector<16xf32> to vector<1x16xf32>
        tpu.vector_store %arg10[%swap3A_361, %swap3A_362], %swap3A_365 {strides = array<i32>} : memref<128x64xf32, #tpu.memory_space<vmem>>, vector<1x16xf32>,
        %get3A_366 = arith.index_cast %scan3A_329 : i32 to index
        %get3A_367 = arith.constant 48 : index
        %get3A_368 = tpu.vector_load %arg10[%get3A_366, %get3A_367] {strides = array<i32>} : memref<128x64xf32, #tpu.memory_space<vmem>>, vector<1x16xf32>,
        %get3A_369 = vector.shape_cast %get3A_368 : vector<1x16xf32> to vector<16xf32>
        %mul3A_370 = arith.constant 8.000000e+00 : f32
        %mul3A_371 = vector.broadcast %mul3A_370 : f32 to vector<16xf32>
        %mul3A_372 = arith.mulf %get3A_369, %mul3A_371 : vector<16xf32>
        %swap3A_373 = arith.index_cast %scan3A_329 : i32 to index
        %swap3A_374 = arith.constant 48 : index
        %swap3A_375 = tpu.vector_load %arg10[%swap3A_373, %swap3A_374] {strides = array<i32>} : memref<128x64xf32, #tpu.memory_space<vmem>>, vector<1x16xf32>,
        %swap3A_376 = vector.shape_cast %swap3A_375 : vector<1x16xf32> to vector<16xf32>
        %swap3A_377 = vector.shape_cast %mul3A_372 : vector<16xf32> to vector<1x16xf32>
        tpu.vector_store %arg10[%swap3A_373, %swap3A_374], %swap3A_377 {strides = array<i32>} : memref<128x64xf32, #tpu.memory_space<vmem>>, vector<1x16xf32>,
        %scan3A_378 = arith.constant 3 : i32
        %scan3A_379 = arith.addi %scan3A_231, %scan3A_378 : i32
        %get3A_380 = arith.index_cast %scan3A_379 : i32 to index
        %get3A_381 = arith.constant 0 : index
        %get3A_382 = tpu.vector_load %arg10[%get3A_380, %get3A_381] {strides = array<i32>} : memref<128x64xf32, #tpu.memory_space<vmem>>, vector<1x16xf32>,
        %get3A_383 = vector.shape_cast %get3A_382 : vector<1x16xf32> to vector<16xf32>
        %mul3A_384 = arith.constant 8.000000e+00 : f32
        %mul3A_385 = vector.broadcast %mul3A_384 : f32 to vector<16xf32>
        %mul3A_386 = arith.mulf %get3A_383, %mul3A_385 : vector<16xf32>
        %swap3A_387 = arith.index_cast %scan3A_379 : i32 to index
        %swap3A_388 = arith.constant 0 : index
        %swap3A_389 = tpu.vector_load %arg10[%swap3A_387, %swap3A_388] {strides = array<i32>} : memref<128x64xf32, #tpu.memory_space<vmem>>, vector<1x16xf32>,
        %swap3A_390 = vector.shape_cast %swap3A_389 : vector<1x16xf32> to vector<16xf32>
        %swap3A_391 = vector.shape_cast %mul3A_386 : vector<16xf32> to vector<1x16xf32>
        tpu.vector_store %arg10[%swap3A_387, %swap3A_388], %swap3A_391 {strides = array<i32>} : memref<128x64xf32, #tpu.memory_space<vmem>>, vector<1x16xf32>,
        %get3A_392 = arith.index_cast %scan3A_379 : i32 to index
        %get3A_393 = arith.constant 16 : index
        %get3A_394 = tpu.vector_load %arg10[%get3A_392, %get3A_393] {strides = array<i32>} : memref<128x64xf32, #tpu.memory_space<vmem>>, vector<1x16xf32>,
        %get3A_395 = vector.shape_cast %get3A_394 : vector<1x16xf32> to vector<16xf32>
        %mul3A_396 = arith.constant 8.000000e+00 : f32
        %mul3A_397 = vector.broadcast %mul3A_396 : f32 to vector<16xf32>
        %mul3A_398 = arith.mulf %get3A_395, %mul3A_397 : vector<16xf32>
        %swap3A_399 = arith.index_cast %scan3A_379 : i32 to index
        %swap3A_400 = arith.constant 16 : index
        %swap3A_401 = tpu.vector_load %arg10[%swap3A_399, %swap3A_400] {strides = array<i32>} : memref<128x64xf32, #tpu.memory_space<vmem>>, vector<1x16xf32>,
        %swap3A_402 = vector.shape_cast %swap3A_401 : vector<1x16xf32> to vector<16xf32>
        %swap3A_403 = vector.shape_cast %mul3A_398 : vector<16xf32> to vector<1x16xf32>
        tpu.vector_store %arg10[%swap3A_399, %swap3A_400], %swap3A_403 {strides = array<i32>} : memref<128x64xf32, #tpu.memory_space<vmem>>, vector<1x16xf32>,
        %get3A_404 = arith.index_cast %scan3A_379 : i32 to index
        %get3A_405 = arith.constant 32 : index
        %get3A_406 = tpu.vector_load %arg10[%get3A_404, %get3A_405] {strides = array<i32>} : memref<128x64xf32, #tpu.memory_space<vmem>>, vector<1x16xf32>,
        %get3A_407 = vector.shape_cast %get3A_406 : vector<1x16xf32> to vector<16xf32>
        %mul3A_408 = arith.constant 8.000000e+00 : f32
        %mul3A_409 = vector.broadcast %mul3A_408 : f32 to vector<16xf32>
        %mul3A_410 = arith.mulf %get3A_407, %mul3A_409 : vector<16xf32>
        %swap3A_411 = arith.index_cast %scan3A_379 : i32 to index
        %swap3A_412 = arith.constant 32 : index
        %swap3A_413 = tpu.vector_load %arg10[%swap3A_411, %swap3A_412] {strides = array<i32>} : memref<128x64xf32, #tpu.memory_space<vmem>>, vector<1x16xf32>,
        %swap3A_414 = vector.shape_cast %swap3A_413 : vector<1x16xf32> to vector<16xf32>
        %swap3A_415 = vector.shape_cast %mul3A_410 : vector<16xf32> to vector<1x16xf32>
        tpu.vector_store %arg10[%swap3A_411, %swap3A_412], %swap3A_415 {strides = array<i32>} : memref<128x64xf32, #tpu.memory_space<vmem>>, vector<1x16xf32>,
        %get3A_416 = arith.index_cast %scan3A_379 : i32 to index
        %get3A_417 = arith.constant 48 : index
        %get3A_418 = tpu.vector_load %arg10[%get3A_416, %get3A_417] {strides = array<i32>} : memref<128x64xf32, #tpu.memory_space<vmem>>, vector<1x16xf32>,
        %get3A_419 = vector.shape_cast %get3A_418 : vector<1x16xf32> to vector<16xf32>
        %mul3A_420 = arith.constant 8.000000e+00 : f32
        %mul3A_421 = vector.broadcast %mul3A_420 : f32 to vector<16xf32>
        %mul3A_422 = arith.mulf %get3A_419, %mul3A_421 : vector<16xf32>
        %swap3A_423 = arith.index_cast %scan3A_379 : i32 to index
        %swap3A_424 = arith.constant 48 : index
        %swap3A_425 = tpu.vector_load %arg10[%swap3A_423, %swap3A_424] {strides = array<i32>} : memref<128x64xf32, #tpu.memory_space<vmem>>, vector<1x16xf32>,
        %swap3A_426 = vector.shape_cast %swap3A_425 : vector<1x16xf32> to vector<16xf32>
        %swap3A_427 = vector.shape_cast %mul3A_422 : vector<16xf32> to vector<1x16xf32>
        tpu.vector_store %arg10[%swap3A_423, %swap3A_424], %swap3A_427 {strides = array<i32>} : memref<128x64xf32, #tpu.memory_space<vmem>>, vector<1x16xf32>,
      }
      %scan3A_133 = arith.constant 128 : i32
      %mul3A_134 = arith.constant 128 : i32
      %mul3A_135 = arith.muli %add3A, %mul3A_134 : i32
      %dma_start3A_136 = arith.constant 0 : i32
      %dma_start3A_137 = tpu.memref_slice %arg4[%mul3A_135, %add3A_109, %dma_start3A_136] : memref<4096x200x64xf32, #tpu.memory_space<hbm>> -> memref<128x1x64xf32, #tpu.memory_space<hbm>>
      %dma_start3A_138 = tpu.memref_squeeze %dma_start3A_137 : memref<128x1x64xf32, #tpu.memory_space<hbm>> -> memref<128x64xf32, #tpu.memory_space<hbm>>
      %dma_start3A_139 = arith.constant 0 : i32
      %dma_start3A_140 = tpu.memref_slice %arg4[%mul3A_135, %add3A_109, %dma_start3A_139] : memref<4096x200x64xf32, #tpu.memory_space<hbm>> -> memref<128x1x64xf32, #tpu.memory_space<hbm>>
      %dma_start3A_141 = tpu.memref_squeeze %dma_start3A_140 : memref<128x1x64xf32, #tpu.memory_space<hbm>> -> memref<128x64xf32, #tpu.memory_space<hbm>>
      tpu.enqueue_dma source(%arg10 : memref<128x64xf32, #tpu.memory_space<vmem>>) target(%dma_start3A_141 : memref<128x64xf32, #tpu.memory_space<hbm>>) target_semaphore(%arg22 : memref<!tpu.dma_semaphore, #tpu.memory_space<semaphore_mem>>)
      %add3A_142 = arith.constant 2 : i32
      %add3A_143 = arith.addi %add3A_109, %add3A_142 : i32
      %lt3A_144 = arith.constant 200 : i32
      %lt3A_145 = arith.cmpi slt, %add3A_143, %lt3A_144 : i32
      %convert_element_type3A_146 = arith.extui %lt3A_145 : i1 to i32
      %cond3A_147 = arith.constant 0 : i32
      %cond3A_148 = arith.cmpi ne, %convert_element_type3A_146, %cond3A_147 : i32
      scf.if %cond3A_148 {
        %dma_wait3A_231 = arith.constant 0 : i32
        %dma_wait3A_232 = arith.constant 0 : i32
        %dma_wait3A_233 = arith.constant 0 : i32
        %dma_wait3A_234 = arith.constant 0 : i32
        %dma_wait3A_235 = tpu.memref_slice %arg2[%dma_wait3A_231, %dma_wait3A_232, %dma_wait3A_233, %dma_wait3A_234] : memref<25x32x8x128xi32, #tpu.memory_space<hbm>> -> memref<1x1x1x128xi32, #tpu.memory_space<hbm>>
        %dma_wait3A_236 = tpu.memref_squeeze %dma_wait3A_235 : memref<1x1x1x128xi32, #tpu.memory_space<hbm>> -> memref<128xi32, #tpu.memory_space<hbm>>
        %dma_wait3A_237 = arith.constant 0 : i32
        %dma_wait3A_238 = tpu.memref_slice %arg2[%dma_wait3A_231, %dma_wait3A_232, %dma_wait3A_233, %dma_wait3A_237] : memref<25x32x8x128xi32, #tpu.memory_space<hbm>> -> memref<1x1x1x128xi32, #tpu.memory_space<hbm>>
        %dma_wait3A_239 = tpu.memref_squeeze %dma_wait3A_238 : memref<1x1x1x128xi32, #tpu.memory_space<hbm>> -> memref<128xi32, #tpu.memory_space<hbm>>
        tpu.wait_dma2 semaphore(%arg16 : memref<!tpu.dma_semaphore, #tpu.memory_space<semaphore_mem>>) src(%dma_wait3A_239 : memref<128xi32, #tpu.memory_space<hbm>>) dst(%arg8 : memref<128xi32, #tpu.memory_space<vmem>>)
        %dma_start3A_240 = arith.constant 0 : i32
        %dma_start3A_241 = arith.constant 0 : i32
        %dma_start3A_242 = tpu.memref_slice %arg3[%dma_start3A_240, %dma_start3A_241] : memref<1000000x64xf32, #tpu.memory_space<hbm>> -> memref<1000000x64xf32, #tpu.memory_space<hbm>>
        tpu.enqueue_indirect_dma source(%dma_start3A_242 : memref<1000000x64xf32, #tpu.memory_space<hbm>>) target(%arg12 : memref<128x64xf32, #tpu.memory_space<vmem>>) offsets(%arg8 : memref<128xi32, #tpu.memory_space<vmem>>) semaphore(%arg20 : memref<!tpu.dma_semaphore, #tpu.memory_space<semaphore_mem>>)
      } else {
      }
      %add3A_149 = arith.constant 2 : i32
      %add3A_150 = arith.addi %mul3A_70, %add3A_149 : i32
      %dma_wait3A_151 = arith.constant 0 : i32
      %dma_wait3A_152 = arith.constant 0 : i32
      %dma_wait3A_153 = tpu.memref_slice %arg3[%dma_wait3A_151, %dma_wait3A_152] : memref<1000000x64xf32, #tpu.memory_space<hbm>> -> memref<128x64xf32, #tpu.memory_space<hbm>>
      %dma_wait3A_154 = arith.constant 0 : i32
      %dma_wait3A_155 = arith.constant 0 : i32
      %dma_wait3A_156 = tpu.memref_slice %arg3[%dma_wait3A_154, %dma_wait3A_155] : memref<1000000x64xf32, #tpu.memory_space<hbm>> -> memref<128x64xf32, #tpu.memory_space<hbm>>
      tpu.wait_dma2 semaphore(%arg19 : memref<!tpu.dma_semaphore, #tpu.memory_space<semaphore_mem>>) src(%dma_wait3A_156 : memref<128x64xf32, #tpu.memory_space<hbm>>) dst(%arg11 : memref<128x64xf32, #tpu.memory_space<vmem>>)
      %add3A_157 = arith.constant 4 : i32
      %add3A_158 = arith.addi %add3A_150, %add3A_157 : i32
      %lt3A_159 = arith.constant 200 : i32
      %lt3A_160 = arith.cmpi slt, %add3A_158, %lt3A_159 : i32
      %convert_element_type3A_161 = arith.extui %lt3A_160 : i1 to i32
      %cond3A_162 = arith.constant 0 : i32
      %cond3A_163 = arith.cmpi ne, %convert_element_type3A_161, %cond3A_162 : i32
      scf.if %cond3A_163 {
        %add3A_231 = arith.constant 4 : i32
        %add3A_232 = arith.addi %add3A_150, %add3A_231 : i32
        %div3A_233 = arith.constant 8 : i32
        %div3A_234 = arith.divsi %add3A_232, %div3A_233 : i32
        %rem3A_235 = arith.constant 8 : i32
        %rem3A_236 = arith.remsi %add3A_232, %rem3A_235 : i32
        %dma_start3A_237 = arith.constant 0 : i32
        %dma_start3A_238 = tpu.memref_slice %arg2[%div3A_234, %add3A, %rem3A_236, %dma_start3A_237] : memref<25x32x8x128xi32, #tpu.memory_space<hbm>> -> memref<1x1x1x128xi32, #tpu.memory_space<hbm>>
        %dma_start3A_239 = tpu.memref_squeeze %dma_start3A_238 : memref<1x1x1x128xi32, #tpu.memory_space<hbm>> -> memref<128xi32, #tpu.memory_space<hbm>>
        %dma_start3A_240 = arith.constant 0 : i32
        %dma_start3A_241 = tpu.memref_slice %arg2[%div3A_234, %add3A, %rem3A_236, %dma_start3A_240] : memref<25x32x8x128xi32, #tpu.memory_space<hbm>> -> memref<1x1x1x128xi32, #tpu.memory_space<hbm>>
        %dma_start3A_242 = tpu.memref_squeeze %dma_start3A_241 : memref<1x1x1x128xi32, #tpu.memory_space<hbm>> -> memref<128xi32, #tpu.memory_space<hbm>>
        tpu.enqueue_dma source(%dma_start3A_242 : memref<128xi32, #tpu.memory_space<hbm>>) target(%arg7 : memref<128xi32, #tpu.memory_space<vmem>>) target_semaphore(%arg15 : memref<!tpu.dma_semaphore, #tpu.memory_space<semaphore_mem>>)
      } else {
      }
      %ge3A_164 = arith.constant 4 : i32
      %ge3A_165 = arith.cmpi sge, %add3A_150, %ge3A_164 : i32
      %convert_element_type3A_166 = arith.extui %ge3A_165 : i1 to i32
      %cond3A_167 = arith.constant 0 : i32
      %cond3A_168 = arith.cmpi ne, %convert_element_type3A_166, %cond3A_167 : i32
      scf.if %cond3A_168 {
        %dma_wait3A_231 = arith.constant 0 : i32
        %dma_wait3A_232 = arith.constant 0 : i32
        %dma_wait3A_233 = tpu.memref_slice %arg3[%dma_wait3A_231, %dma_wait3A_232] : memref<1000000x64xf32, #tpu.memory_space<hbm>> -> memref<128x64xf32, #tpu.memory_space<hbm>>
        %dma_wait3A_234 = arith.constant 0 : i32
        %dma_wait3A_235 = arith.constant 0 : i32
        %dma_wait3A_236 = tpu.memref_slice %arg3[%dma_wait3A_234, %dma_wait3A_235] : memref<1000000x64xf32, #tpu.memory_space<hbm>> -> memref<128x64xf32, #tpu.memory_space<hbm>>
        tpu.wait_dma2 semaphore(%arg23 : memref<!tpu.dma_semaphore, #tpu.memory_space<semaphore_mem>>) src(%dma_wait3A_236 : memref<128x64xf32, #tpu.memory_space<hbm>>) dst(%arg11 : memref<128x64xf32, #tpu.memory_space<vmem>>)
      } else {
      }
      %scan3A_169 = arith.constant 0 : i32
      %scan3A_170 = arith.constant 0 : i32
      %scan3A_171 = arith.constant 128 : i32
      %scan3A_172 = arith.addi %scan3A_170, %scan3A_171 : i32
      %scan3A_173 = arith.constant 4 : i32
      scf.for %scan3A_231 = %scan3A_170 to %scan3A_172 step %scan3A_173  : i32 {
        %get3A = arith.index_cast %scan3A_231 : i32 to index
        %get3A_232 = arith.constant 0 : index
        %get3A_233 = tpu.vector_load %arg11[%get3A, %get3A_232] {strides = array<i32>} : memref<128x64xf32, #tpu.memory_space<vmem>>, vector<1x16xf32>,
        %get3A_234 = vector.shape_cast %get3A_233 : vector<1x16xf32> to vector<16xf32>
        %mul3A_235 = arith.constant 8.000000e+00 : f32
        %mul3A_236 = vector.broadcast %mul3A_235 : f32 to vector<16xf32>
        %mul3A_237 = arith.mulf %get3A_234, %mul3A_236 : vector<16xf32>
        %swap3A = arith.index_cast %scan3A_231 : i32 to index
        %swap3A_238 = arith.constant 0 : index
        %swap3A_239 = tpu.vector_load %arg11[%swap3A, %swap3A_238] {strides = array<i32>} : memref<128x64xf32, #tpu.memory_space<vmem>>, vector<1x16xf32>,
        %swap3A_240 = vector.shape_cast %swap3A_239 : vector<1x16xf32> to vector<16xf32>
        %swap3A_241 = vector.shape_cast %mul3A_237 : vector<16xf32> to vector<1x16xf32>
        tpu.vector_store %arg11[%swap3A, %swap3A_238], %swap3A_241 {strides = array<i32>} : memref<128x64xf32, #tpu.memory_space<vmem>>, vector<1x16xf32>,
        %get3A_242 = arith.index_cast %scan3A_231 : i32 to index
        %get3A_243 = arith.constant 16 : index
        %get3A_244 = tpu.vector_load %arg11[%get3A_242, %get3A_243] {strides = array<i32>} : memref<128x64xf32, #tpu.memory_space<vmem>>, vector<1x16xf32>,
        %get3A_245 = vector.shape_cast %get3A_244 : vector<1x16xf32> to vector<16xf32>
        %mul3A_246 = arith.constant 8.000000e+00 : f32
        %mul3A_247 = vector.broadcast %mul3A_246 : f32 to vector<16xf32>
        %mul3A_248 = arith.mulf %get3A_245, %mul3A_247 : vector<16xf32>
        %swap3A_249 = arith.index_cast %scan3A_231 : i32 to index
        %swap3A_250 = arith.constant 16 : index
        %swap3A_251 = tpu.vector_load %arg11[%swap3A_249, %swap3A_250] {strides = array<i32>} : memref<128x64xf32, #tpu.memory_space<vmem>>, vector<1x16xf32>,
        %swap3A_252 = vector.shape_cast %swap3A_251 : vector<1x16xf32> to vector<16xf32>
        %swap3A_253 = vector.shape_cast %mul3A_248 : vector<16xf32> to vector<1x16xf32>
        tpu.vector_store %arg11[%swap3A_249, %swap3A_250], %swap3A_253 {strides = array<i32>} : memref<128x64xf32, #tpu.memory_space<vmem>>, vector<1x16xf32>,
        %get3A_254 = arith.index_cast %scan3A_231 : i32 to index
        %get3A_255 = arith.constant 32 : index
        %get3A_256 = tpu.vector_load %arg11[%get3A_254, %get3A_255] {strides = array<i32>} : memref<128x64xf32, #tpu.memory_space<vmem>>, vector<1x16xf32>,
        %get3A_257 = vector.shape_cast %get3A_256 : vector<1x16xf32> to vector<16xf32>
        %mul3A_258 = arith.constant 8.000000e+00 : f32
        %mul3A_259 = vector.broadcast %mul3A_258 : f32 to vector<16xf32>
        %mul3A_260 = arith.mulf %get3A_257, %mul3A_259 : vector<16xf32>
        %swap3A_261 = arith.index_cast %scan3A_231 : i32 to index
        %swap3A_262 = arith.constant 32 : index
        %swap3A_263 = tpu.vector_load %arg11[%swap3A_261, %swap3A_262] {strides = array<i32>} : memref<128x64xf32, #tpu.memory_space<vmem>>, vector<1x16xf32>,
        %swap3A_264 = vector.shape_cast %swap3A_263 : vector<1x16xf32> to vector<16xf32>
        %swap3A_265 = vector.shape_cast %mul3A_260 : vector<16xf32> to vector<1x16xf32>
        tpu.vector_store %arg11[%swap3A_261, %swap3A_262], %swap3A_265 {strides = array<i32>} : memref<128x64xf32, #tpu.memory_space<vmem>>, vector<1x16xf32>,
        %get3A_266 = arith.index_cast %scan3A_231 : i32 to index
        %get3A_267 = arith.constant 48 : index
        %get3A_268 = tpu.vector_load %arg11[%get3A_266, %get3A_267] {strides = array<i32>} : memref<128x64xf32, #tpu.memory_space<vmem>>, vector<1x16xf32>,
        %get3A_269 = vector.shape_cast %get3A_268 : vector<1x16xf32> to vector<16xf32>
        %mul3A_270 = arith.constant 8.000000e+00 : f32
        %mul3A_271 = vector.broadcast %mul3A_270 : f32 to vector<16xf32>
        %mul3A_272 = arith.mulf %get3A_269, %mul3A_271 : vector<16xf32>
        %swap3A_273 = arith.index_cast %scan3A_231 : i32 to index
        %swap3A_274 = arith.constant 48 : index
        %swap3A_275 = tpu.vector_load %arg11[%swap3A_273, %swap3A_274] {strides = array<i32>} : memref<128x64xf32, #tpu.memory_space<vmem>>, vector<1x16xf32>,
        %swap3A_276 = vector.shape_cast %swap3A_275 : vector<1x16xf32> to vector<16xf32>
        %swap3A_277 = vector.shape_cast %mul3A_272 : vector<16xf32> to vector<1x16xf32>
        tpu.vector_store %arg11[%swap3A_273, %swap3A_274], %swap3A_277 {strides = array<i32>} : memref<128x64xf32, #tpu.memory_space<vmem>>, vector<1x16xf32>,
        %scan3A_278 = arith.constant 1 : i32
        %scan3A_279 = arith.addi %scan3A_231, %scan3A_278 : i32
        %get3A_280 = arith.index_cast %scan3A_279 : i32 to index
        %get3A_281 = arith.constant 0 : index
        %get3A_282 = tpu.vector_load %arg11[%get3A_280, %get3A_281] {strides = array<i32>} : memref<128x64xf32, #tpu.memory_space<vmem>>, vector<1x16xf32>,
        %get3A_283 = vector.shape_cast %get3A_282 : vector<1x16xf32> to vector<16xf32>
        %mul3A_284 = arith.constant 8.000000e+00 : f32
        %mul3A_285 = vector.broadcast %mul3A_284 : f32 to vector<16xf32>
        %mul3A_286 = arith.mulf %get3A_283, %mul3A_285 : vector<16xf32>
        %swap3A_287 = arith.index_cast %scan3A_279 : i32 to index
        %swap3A_288 = arith.constant 0 : index
        %swap3A_289 = tpu.vector_load %arg11[%swap3A_287, %swap3A_288] {strides = array<i32>} : memref<128x64xf32, #tpu.memory_space<vmem>>, vector<1x16xf32>,
        %swap3A_290 = vector.shape_cast %swap3A_289 : vector<1x16xf32> to vector<16xf32>
        %swap3A_291 = vector.shape_cast %mul3A_286 : vector<16xf32> to vector<1x16xf32>
        tpu.vector_store %arg11[%swap3A_287, %swap3A_288], %swap3A_291 {strides = array<i32>} : memref<128x64xf32, #tpu.memory_space<vmem>>, vector<1x16xf32>,
        %get3A_292 = arith.index_cast %scan3A_279 : i32 to index
        %get3A_293 = arith.constant 16 : index
        %get3A_294 = tpu.vector_load %arg11[%get3A_292, %get3A_293] {strides = array<i32>} : memref<128x64xf32, #tpu.memory_space<vmem>>, vector<1x16xf32>,
        %get3A_295 = vector.shape_cast %get3A_294 : vector<1x16xf32> to vector<16xf32>
        %mul3A_296 = arith.constant 8.000000e+00 : f32
        %mul3A_297 = vector.broadcast %mul3A_296 : f32 to vector<16xf32>
        %mul3A_298 = arith.mulf %get3A_295, %mul3A_297 : vector<16xf32>
        %swap3A_299 = arith.index_cast %scan3A_279 : i32 to index
        %swap3A_300 = arith.constant 16 : index
        %swap3A_301 = tpu.vector_load %arg11[%swap3A_299, %swap3A_300] {strides = array<i32>} : memref<128x64xf32, #tpu.memory_space<vmem>>, vector<1x16xf32>,
        %swap3A_302 = vector.shape_cast %swap3A_301 : vector<1x16xf32> to vector<16xf32>
        %swap3A_303 = vector.shape_cast %mul3A_298 : vector<16xf32> to vector<1x16xf32>
        tpu.vector_store %arg11[%swap3A_299, %swap3A_300], %swap3A_303 {strides = array<i32>} : memref<128x64xf32, #tpu.memory_space<vmem>>, vector<1x16xf32>,
        %get3A_304 = arith.index_cast %scan3A_279 : i32 to index
        %get3A_305 = arith.constant 32 : index
        %get3A_306 = tpu.vector_load %arg11[%get3A_304, %get3A_305] {strides = array<i32>} : memref<128x64xf32, #tpu.memory_space<vmem>>, vector<1x16xf32>,
        %get3A_307 = vector.shape_cast %get3A_306 : vector<1x16xf32> to vector<16xf32>
        %mul3A_308 = arith.constant 8.000000e+00 : f32
        %mul3A_309 = vector.broadcast %mul3A_308 : f32 to vector<16xf32>
        %mul3A_310 = arith.mulf %get3A_307, %mul3A_309 : vector<16xf32>
        %swap3A_311 = arith.index_cast %scan3A_279 : i32 to index
        %swap3A_312 = arith.constant 32 : index
        %swap3A_313 = tpu.vector_load %arg11[%swap3A_311, %swap3A_312] {strides = array<i32>} : memref<128x64xf32, #tpu.memory_space<vmem>>, vector<1x16xf32>,
        %swap3A_314 = vector.shape_cast %swap3A_313 : vector<1x16xf32> to vector<16xf32>
        %swap3A_315 = vector.shape_cast %mul3A_310 : vector<16xf32> to vector<1x16xf32>
        tpu.vector_store %arg11[%swap3A_311, %swap3A_312], %swap3A_315 {strides = array<i32>} : memref<128x64xf32, #tpu.memory_space<vmem>>, vector<1x16xf32>,
        %get3A_316 = arith.index_cast %scan3A_279 : i32 to index
        %get3A_317 = arith.constant 48 : index
        %get3A_318 = tpu.vector_load %arg11[%get3A_316, %get3A_317] {strides = array<i32>} : memref<128x64xf32, #tpu.memory_space<vmem>>, vector<1x16xf32>,
        %get3A_319 = vector.shape_cast %get3A_318 : vector<1x16xf32> to vector<16xf32>
        %mul3A_320 = arith.constant 8.000000e+00 : f32
        %mul3A_321 = vector.broadcast %mul3A_320 : f32 to vector<16xf32>
        %mul3A_322 = arith.mulf %get3A_319, %mul3A_321 : vector<16xf32>
        %swap3A_323 = arith.index_cast %scan3A_279 : i32 to index
        %swap3A_324 = arith.constant 48 : index
        %swap3A_325 = tpu.vector_load %arg11[%swap3A_323, %swap3A_324] {strides = array<i32>} : memref<128x64xf32, #tpu.memory_space<vmem>>, vector<1x16xf32>,
        %swap3A_326 = vector.shape_cast %swap3A_325 : vector<1x16xf32> to vector<16xf32>
        %swap3A_327 = vector.shape_cast %mul3A_322 : vector<16xf32> to vector<1x16xf32>
        tpu.vector_store %arg11[%swap3A_323, %swap3A_324], %swap3A_327 {strides = array<i32>} : memref<128x64xf32, #tpu.memory_space<vmem>>, vector<1x16xf32>,
        %scan3A_328 = arith.constant 2 : i32
        %scan3A_329 = arith.addi %scan3A_231, %scan3A_328 : i32
        %get3A_330 = arith.index_cast %scan3A_329 : i32 to index
        %get3A_331 = arith.constant 0 : index
        %get3A_332 = tpu.vector_load %arg11[%get3A_330, %get3A_331] {strides = array<i32>} : memref<128x64xf32, #tpu.memory_space<vmem>>, vector<1x16xf32>,
        %get3A_333 = vector.shape_cast %get3A_332 : vector<1x16xf32> to vector<16xf32>
        %mul3A_334 = arith.constant 8.000000e+00 : f32
        %mul3A_335 = vector.broadcast %mul3A_334 : f32 to vector<16xf32>
        %mul3A_336 = arith.mulf %get3A_333, %mul3A_335 : vector<16xf32>
        %swap3A_337 = arith.index_cast %scan3A_329 : i32 to index
        %swap3A_338 = arith.constant 0 : index
        %swap3A_339 = tpu.vector_load %arg11[%swap3A_337, %swap3A_338] {strides = array<i32>} : memref<128x64xf32, #tpu.memory_space<vmem>>, vector<1x16xf32>,
        %swap3A_340 = vector.shape_cast %swap3A_339 : vector<1x16xf32> to vector<16xf32>
        %swap3A_341 = vector.shape_cast %mul3A_336 : vector<16xf32> to vector<1x16xf32>
        tpu.vector_store %arg11[%swap3A_337, %swap3A_338], %swap3A_341 {strides = array<i32>} : memref<128x64xf32, #tpu.memory_space<vmem>>, vector<1x16xf32>,
        %get3A_342 = arith.index_cast %scan3A_329 : i32 to index
        %get3A_343 = arith.constant 16 : index
        %get3A_344 = tpu.vector_load %arg11[%get3A_342, %get3A_343] {strides = array<i32>} : memref<128x64xf32, #tpu.memory_space<vmem>>, vector<1x16xf32>,
        %get3A_345 = vector.shape_cast %get3A_344 : vector<1x16xf32> to vector<16xf32>
        %mul3A_346 = arith.constant 8.000000e+00 : f32
        %mul3A_347 = vector.broadcast %mul3A_346 : f32 to vector<16xf32>
        %mul3A_348 = arith.mulf %get3A_345, %mul3A_347 : vector<16xf32>
        %swap3A_349 = arith.index_cast %scan3A_329 : i32 to index
        %swap3A_350 = arith.constant 16 : index
        %swap3A_351 = tpu.vector_load %arg11[%swap3A_349, %swap3A_350] {strides = array<i32>} : memref<128x64xf32, #tpu.memory_space<vmem>>, vector<1x16xf32>,
        %swap3A_352 = vector.shape_cast %swap3A_351 : vector<1x16xf32> to vector<16xf32>
        %swap3A_353 = vector.shape_cast %mul3A_348 : vector<16xf32> to vector<1x16xf32>
        tpu.vector_store %arg11[%swap3A_349, %swap3A_350], %swap3A_353 {strides = array<i32>} : memref<128x64xf32, #tpu.memory_space<vmem>>, vector<1x16xf32>,
        %get3A_354 = arith.index_cast %scan3A_329 : i32 to index
        %get3A_355 = arith.constant 32 : index
        %get3A_356 = tpu.vector_load %arg11[%get3A_354, %get3A_355] {strides = array<i32>} : memref<128x64xf32, #tpu.memory_space<vmem>>, vector<1x16xf32>,
        %get3A_357 = vector.shape_cast %get3A_356 : vector<1x16xf32> to vector<16xf32>
        %mul3A_358 = arith.constant 8.000000e+00 : f32
        %mul3A_359 = vector.broadcast %mul3A_358 : f32 to vector<16xf32>
        %mul3A_360 = arith.mulf %get3A_357, %mul3A_359 : vector<16xf32>
        %swap3A_361 = arith.index_cast %scan3A_329 : i32 to index
        %swap3A_362 = arith.constant 32 : index
        %swap3A_363 = tpu.vector_load %arg11[%swap3A_361, %swap3A_362] {strides = array<i32>} : memref<128x64xf32, #tpu.memory_space<vmem>>, vector<1x16xf32>,
        %swap3A_364 = vector.shape_cast %swap3A_363 : vector<1x16xf32> to vector<16xf32>
        %swap3A_365 = vector.shape_cast %mul3A_360 : vector<16xf32> to vector<1x16xf32>
        tpu.vector_store %arg11[%swap3A_361, %swap3A_362], %swap3A_365 {strides = array<i32>} : memref<128x64xf32, #tpu.memory_space<vmem>>, vector<1x16xf32>,
        %get3A_366 = arith.index_cast %scan3A_329 : i32 to index
        %get3A_367 = arith.constant 48 : index
        %get3A_368 = tpu.vector_load %arg11[%get3A_366, %get3A_367] {strides = array<i32>} : memref<128x64xf32, #tpu.memory_space<vmem>>, vector<1x16xf32>,
        %get3A_369 = vector.shape_cast %get3A_368 : vector<1x16xf32> to vector<16xf32>
        %mul3A_370 = arith.constant 8.000000e+00 : f32
        %mul3A_371 = vector.broadcast %mul3A_370 : f32 to vector<16xf32>
        %mul3A_372 = arith.mulf %get3A_369, %mul3A_371 : vector<16xf32>
        %swap3A_373 = arith.index_cast %scan3A_329 : i32 to index
        %swap3A_374 = arith.constant 48 : index
        %swap3A_375 = tpu.vector_load %arg11[%swap3A_373, %swap3A_374] {strides = array<i32>} : memref<128x64xf32, #tpu.memory_space<vmem>>, vector<1x16xf32>,
        %swap3A_376 = vector.shape_cast %swap3A_375 : vector<1x16xf32> to vector<16xf32>
        %swap3A_377 = vector.shape_cast %mul3A_372 : vector<16xf32> to vector<1x16xf32>
        tpu.vector_store %arg11[%swap3A_373, %swap3A_374], %swap3A_377 {strides = array<i32>} : memref<128x64xf32, #tpu.memory_space<vmem>>, vector<1x16xf32>,
        %scan3A_378 = arith.constant 3 : i32
        %scan3A_379 = arith.addi %scan3A_231, %scan3A_378 : i32
        %get3A_380 = arith.index_cast %scan3A_379 : i32 to index
        %get3A_381 = arith.constant 0 : index
        %get3A_382 = tpu.vector_load %arg11[%get3A_380, %get3A_381] {strides = array<i32>} : memref<128x64xf32, #tpu.memory_space<vmem>>, vector<1x16xf32>,
        %get3A_383 = vector.shape_cast %get3A_382 : vector<1x16xf32> to vector<16xf32>
        %mul3A_384 = arith.constant 8.000000e+00 : f32
        %mul3A_385 = vector.broadcast %mul3A_384 : f32 to vector<16xf32>
        %mul3A_386 = arith.mulf %get3A_383, %mul3A_385 : vector<16xf32>
        %swap3A_387 = arith.index_cast %scan3A_379 : i32 to index
        %swap3A_388 = arith.constant 0 : index
        %swap3A_389 = tpu.vector_load %arg11[%swap3A_387, %swap3A_388] {strides = array<i32>} : memref<128x64xf32, #tpu.memory_space<vmem>>, vector<1x16xf32>,
        %swap3A_390 = vector.shape_cast %swap3A_389 : vector<1x16xf32> to vector<16xf32>
        %swap3A_391 = vector.shape_cast %mul3A_386 : vector<16xf32> to vector<1x16xf32>
        tpu.vector_store %arg11[%swap3A_387, %swap3A_388], %swap3A_391 {strides = array<i32>} : memref<128x64xf32, #tpu.memory_space<vmem>>, vector<1x16xf32>,
        %get3A_392 = arith.index_cast %scan3A_379 : i32 to index
        %get3A_393 = arith.constant 16 : index
        %get3A_394 = tpu.vector_load %arg11[%get3A_392, %get3A_393] {strides = array<i32>} : memref<128x64xf32, #tpu.memory_space<vmem>>, vector<1x16xf32>,
        %get3A_395 = vector.shape_cast %get3A_394 : vector<1x16xf32> to vector<16xf32>
        %mul3A_396 = arith.constant 8.000000e+00 : f32
        %mul3A_397 = vector.broadcast %mul3A_396 : f32 to vector<16xf32>
        %mul3A_398 = arith.mulf %get3A_395, %mul3A_397 : vector<16xf32>
        %swap3A_399 = arith.index_cast %scan3A_379 : i32 to index
        %swap3A_400 = arith.constant 16 : index
        %swap3A_401 = tpu.vector_load %arg11[%swap3A_399, %swap3A_400] {strides = array<i32>} : memref<128x64xf32, #tpu.memory_space<vmem>>, vector<1x16xf32>,
        %swap3A_402 = vector.shape_cast %swap3A_401 : vector<1x16xf32> to vector<16xf32>
        %swap3A_403 = vector.shape_cast %mul3A_398 : vector<16xf32> to vector<1x16xf32>
        tpu.vector_store %arg11[%swap3A_399, %swap3A_400], %swap3A_403 {strides = array<i32>} : memref<128x64xf32, #tpu.memory_space<vmem>>, vector<1x16xf32>,
        %get3A_404 = arith.index_cast %scan3A_379 : i32 to index
        %get3A_405 = arith.constant 32 : index
        %get3A_406 = tpu.vector_load %arg11[%get3A_404, %get3A_405] {strides = array<i32>} : memref<128x64xf32, #tpu.memory_space<vmem>>, vector<1x16xf32>,
        %get3A_407 = vector.shape_cast %get3A_406 : vector<1x16xf32> to vector<16xf32>
        %mul3A_408 = arith.constant 8.000000e+00 : f32
        %mul3A_409 = vector.broadcast %mul3A_408 : f32 to vector<16xf32>
        %mul3A_410 = arith.mulf %get3A_407, %mul3A_409 : vector<16xf32>
        %swap3A_411 = arith.index_cast %scan3A_379 : i32 to index
        %swap3A_412 = arith.constant 32 : index
        %swap3A_413 = tpu.vector_load %arg11[%swap3A_411, %swap3A_412] {strides = array<i32>} : memref<128x64xf32, #tpu.memory_space<vmem>>, vector<1x16xf32>,
        %swap3A_414 = vector.shape_cast %swap3A_413 : vector<1x16xf32> to vector<16xf32>
        %swap3A_415 = vector.shape_cast %mul3A_410 : vector<16xf32> to vector<1x16xf32>
        tpu.vector_store %arg11[%swap3A_411, %swap3A_412], %swap3A_415 {strides = array<i32>} : memref<128x64xf32, #tpu.memory_space<vmem>>, vector<1x16xf32>,
        %get3A_416 = arith.index_cast %scan3A_379 : i32 to index
        %get3A_417 = arith.constant 48 : index
        %get3A_418 = tpu.vector_load %arg11[%get3A_416, %get3A_417] {strides = array<i32>} : memref<128x64xf32, #tpu.memory_space<vmem>>, vector<1x16xf32>,
        %get3A_419 = vector.shape_cast %get3A_418 : vector<1x16xf32> to vector<16xf32>
        %mul3A_420 = arith.constant 8.000000e+00 : f32
        %mul3A_421 = vector.broadcast %mul3A_420 : f32 to vector<16xf32>
        %mul3A_422 = arith.mulf %get3A_419, %mul3A_421 : vector<16xf32>
        %swap3A_423 = arith.index_cast %scan3A_379 : i32 to index
        %swap3A_424 = arith.constant 48 : index
        %swap3A_425 = tpu.vector_load %arg11[%swap3A_423, %swap3A_424] {strides = array<i32>} : memref<128x64xf32, #tpu.memory_space<vmem>>, vector<1x16xf32>,
        %swap3A_426 = vector.shape_cast %swap3A_425 : vector<1x16xf32> to vector<16xf32>
        %swap3A_427 = vector.shape_cast %mul3A_422 : vector<16xf32> to vector<1x16xf32>
        tpu.vector_store %arg11[%swap3A_423, %swap3A_424], %swap3A_427 {strides = array<i32>} : memref<128x64xf32, #tpu.memory_space<vmem>>, vector<1x16xf32>,
      }
      %scan3A_174 = arith.constant 128 : i32
      %mul3A_175 = arith.constant 128 : i32
      %mul3A_176 = arith.muli %add3A, %mul3A_175 : i32
      %dma_start3A_177 = arith.constant 0 : i32
      %dma_start3A_178 = tpu.memref_slice %arg4[%mul3A_176, %add3A_150, %dma_start3A_177] : memref<4096x200x64xf32, #tpu.memory_space<hbm>> -> memref<128x1x64xf32, #tpu.memory_space<hbm>>
      %dma_start3A_179 = tpu.memref_squeeze %dma_start3A_178 : memref<128x1x64xf32, #tpu.memory_space<hbm>> -> memref<128x64xf32, #tpu.memory_space<hbm>>
      %dma_start3A_180 = arith.constant 0 : i32
      %dma_start3A_181 = tpu.memref_slice %arg4[%mul3A_176, %add3A_150, %dma_start3A_180] : memref<4096x200x64xf32, #tpu.memory_space<hbm>> -> memref<128x1x64xf32, #tpu.memory_space<hbm>>
      %dma_start3A_182 = tpu.memref_squeeze %dma_start3A_181 : memref<128x1x64xf32, #tpu.memory_space<hbm>> -> memref<128x64xf32, #tpu.memory_space<hbm>>
      tpu.enqueue_dma source(%arg11 : memref<128x64xf32, #tpu.memory_space<vmem>>) target(%dma_start3A_182 : memref<128x64xf32, #tpu.memory_space<hbm>>) target_semaphore(%arg23 : memref<!tpu.dma_semaphore, #tpu.memory_space<semaphore_mem>>)
      %add3A_183 = arith.constant 2 : i32
      %add3A_184 = arith.addi %add3A_150, %add3A_183 : i32
      %lt3A_185 = arith.constant 200 : i32
      %lt3A_186 = arith.cmpi slt, %add3A_184, %lt3A_185 : i32
      %convert_element_type3A_187 = arith.extui %lt3A_186 : i1 to i32
      %cond3A_188 = arith.constant 0 : i32
      %cond3A_189 = arith.cmpi ne, %convert_element_type3A_187, %cond3A_188 : i32
      scf.if %cond3A_189 {
        %dma_wait3A_231 = arith.constant 0 : i32
        %dma_wait3A_232 = arith.constant 0 : i32
        %dma_wait3A_233 = arith.constant 0 : i32
        %dma_wait3A_234 = arith.constant 0 : i32
        %dma_wait3A_235 = tpu.memref_slice %arg2[%dma_wait3A_231, %dma_wait3A_232, %dma_wait3A_233, %dma_wait3A_234] : memref<25x32x8x128xi32, #tpu.memory_space<hbm>> -> memref<1x1x1x128xi32, #tpu.memory_space<hbm>>
        %dma_wait3A_236 = tpu.memref_squeeze %dma_wait3A_235 : memref<1x1x1x128xi32, #tpu.memory_space<hbm>> -> memref<128xi32, #tpu.memory_space<hbm>>
        %dma_wait3A_237 = arith.constant 0 : i32
        %dma_wait3A_238 = tpu.memref_slice %arg2[%dma_wait3A_231, %dma_wait3A_232, %dma_wait3A_233, %dma_wait3A_237] : memref<25x32x8x128xi32, #tpu.memory_space<hbm>> -> memref<1x1x1x128xi32, #tpu.memory_space<hbm>>
        %dma_wait3A_239 = tpu.memref_squeeze %dma_wait3A_238 : memref<1x1x1x128xi32, #tpu.memory_space<hbm>> -> memref<128xi32, #tpu.memory_space<hbm>>
        tpu.wait_dma2 semaphore(%arg13 : memref<!tpu.dma_semaphore, #tpu.memory_space<semaphore_mem>>) src(%dma_wait3A_239 : memref<128xi32, #tpu.memory_space<hbm>>) dst(%arg5 : memref<128xi32, #tpu.memory_space<vmem>>)
        %dma_start3A_240 = arith.constant 0 : i32
        %dma_start3A_241 = arith.constant 0 : i32
        %dma_start3A_242 = tpu.memref_slice %arg3[%dma_start3A_240, %dma_start3A_241] : memref<1000000x64xf32, #tpu.memory_space<hbm>> -> memref<1000000x64xf32, #tpu.memory_space<hbm>>
        tpu.enqueue_indirect_dma source(%dma_start3A_242 : memref<1000000x64xf32, #tpu.memory_space<hbm>>) target(%arg9 : memref<128x64xf32, #tpu.memory_space<vmem>>) offsets(%arg5 : memref<128xi32, #tpu.memory_space<vmem>>) semaphore(%arg17 : memref<!tpu.dma_semaphore, #tpu.memory_space<semaphore_mem>>)
      } else {
      }
      %add3A_190 = arith.constant 3 : i32
      %add3A_191 = arith.addi %mul3A_70, %add3A_190 : i32
      %dma_wait3A_192 = arith.constant 0 : i32
      %dma_wait3A_193 = arith.constant 0 : i32
      %dma_wait3A_194 = tpu.memref_slice %arg3[%dma_wait3A_192, %dma_wait3A_193] : memref<1000000x64xf32, #tpu.memory_space<hbm>> -> memref<128x64xf32, #tpu.memory_space<hbm>>
      %dma_wait3A_195 = arith.constant 0 : i32
      %dma_wait3A_196 = arith.constant 0 : i32
      %dma_wait3A_197 = tpu.memref_slice %arg3[%dma_wait3A_195, %dma_wait3A_196] : memref<1000000x64xf32, #tpu.memory_space<hbm>> -> memref<128x64xf32, #tpu.memory_space<hbm>>
      tpu.wait_dma2 semaphore(%arg20 : memref<!tpu.dma_semaphore, #tpu.memory_space<semaphore_mem>>) src(%dma_wait3A_197 : memref<128x64xf32, #tpu.memory_space<hbm>>) dst(%arg12 : memref<128x64xf32, #tpu.memory_space<vmem>>)
      %add3A_198 = arith.constant 4 : i32
      %add3A_199 = arith.addi %add3A_191, %add3A_198 : i32
      %lt3A_200 = arith.constant 200 : i32
      %lt3A_201 = arith.cmpi slt, %add3A_199, %lt3A_200 : i32
      %convert_element_type3A_202 = arith.extui %lt3A_201 : i1 to i32
      %cond3A_203 = arith.constant 0 : i32
      %cond3A_204 = arith.cmpi ne, %convert_element_type3A_202, %cond3A_203 : i32
      scf.if %cond3A_204 {
        %add3A_231 = arith.constant 4 : i32
        %add3A_232 = arith.addi %add3A_191, %add3A_231 : i32
        %div3A_233 = arith.constant 8 : i32
        %div3A_234 = arith.divsi %add3A_232, %div3A_233 : i32
        %rem3A_235 = arith.constant 8 : i32
        %rem3A_236 = arith.remsi %add3A_232, %rem3A_235 : i32
        %dma_start3A_237 = arith.constant 0 : i32
        %dma_start3A_238 = tpu.memref_slice %arg2[%div3A_234, %add3A, %rem3A_236, %dma_start3A_237] : memref<25x32x8x128xi32, #tpu.memory_space<hbm>> -> memref<1x1x1x128xi32, #tpu.memory_space<hbm>>
        %dma_start3A_239 = tpu.memref_squeeze %dma_start3A_238 : memref<1x1x1x128xi32, #tpu.memory_space<hbm>> -> memref<128xi32, #tpu.memory_space<hbm>>
        %dma_start3A_240 = arith.constant 0 : i32
        %dma_start3A_241 = tpu.memref_slice %arg2[%div3A_234, %add3A, %rem3A_236, %dma_start3A_240] : memref<25x32x8x128xi32, #tpu.memory_space<hbm>> -> memref<1x1x1x128xi32, #tpu.memory_space<hbm>>
        %dma_start3A_242 = tpu.memref_squeeze %dma_start3A_241 : memref<1x1x1x128xi32, #tpu.memory_space<hbm>> -> memref<128xi32, #tpu.memory_space<hbm>>
        tpu.enqueue_dma source(%dma_start3A_242 : memref<128xi32, #tpu.memory_space<hbm>>) target(%arg8 : memref<128xi32, #tpu.memory_space<vmem>>) target_semaphore(%arg16 : memref<!tpu.dma_semaphore, #tpu.memory_space<semaphore_mem>>)
      } else {
      }
      %ge3A_205 = arith.constant 4 : i32
      %ge3A_206 = arith.cmpi sge, %add3A_191, %ge3A_205 : i32
      %convert_element_type3A_207 = arith.extui %ge3A_206 : i1 to i32
      %cond3A_208 = arith.constant 0 : i32
      %cond3A_209 = arith.cmpi ne, %convert_element_type3A_207, %cond3A_208 : i32
      scf.if %cond3A_209 {
        %dma_wait3A_231 = arith.constant 0 : i32
        %dma_wait3A_232 = arith.constant 0 : i32
        %dma_wait3A_233 = tpu.memref_slice %arg3[%dma_wait3A_231, %dma_wait3A_232] : memref<1000000x64xf32, #tpu.memory_space<hbm>> -> memref<128x64xf32, #tpu.memory_space<hbm>>
        %dma_wait3A_234 = arith.constant 0 : i32
        %dma_wait3A_235 = arith.constant 0 : i32
        %dma_wait3A_236 = tpu.memref_slice %arg3[%dma_wait3A_234, %dma_wait3A_235] : memref<1000000x64xf32, #tpu.memory_space<hbm>> -> memref<128x64xf32, #tpu.memory_space<hbm>>
        tpu.wait_dma2 semaphore(%arg24 : memref<!tpu.dma_semaphore, #tpu.memory_space<semaphore_mem>>) src(%dma_wait3A_236 : memref<128x64xf32, #tpu.memory_space<hbm>>) dst(%arg12 : memref<128x64xf32, #tpu.memory_space<vmem>>)
      } else {
      }
      %scan3A_210 = arith.constant 0 : i32
      %scan3A_211 = arith.constant 0 : i32
      %scan3A_212 = arith.constant 128 : i32
      %scan3A_213 = arith.addi %scan3A_211, %scan3A_212 : i32
      %scan3A_214 = arith.constant 4 : i32
      scf.for %scan3A_231 = %scan3A_211 to %scan3A_213 step %scan3A_214  : i32 {
        %get3A = arith.index_cast %scan3A_231 : i32 to index
        %get3A_232 = arith.constant 0 : index
        %get3A_233 = tpu.vector_load %arg12[%get3A, %get3A_232] {strides = array<i32>} : memref<128x64xf32, #tpu.memory_space<vmem>>, vector<1x16xf32>,
        %get3A_234 = vector.shape_cast %get3A_233 : vector<1x16xf32> to vector<16xf32>
        %mul3A_235 = arith.constant 8.000000e+00 : f32
        %mul3A_236 = vector.broadcast %mul3A_235 : f32 to vector<16xf32>
        %mul3A_237 = arith.mulf %get3A_234, %mul3A_236 : vector<16xf32>
        %swap3A = arith.index_cast %scan3A_231 : i32 to index
        %swap3A_238 = arith.constant 0 : index
        %swap3A_239 = tpu.vector_load %arg12[%swap3A, %swap3A_238] {strides = array<i32>} : memref<128x64xf32, #tpu.memory_space<vmem>>, vector<1x16xf32>,
        %swap3A_240 = vector.shape_cast %swap3A_239 : vector<1x16xf32> to vector<16xf32>
        %swap3A_241 = vector.shape_cast %mul3A_237 : vector<16xf32> to vector<1x16xf32>
        tpu.vector_store %arg12[%swap3A, %swap3A_238], %swap3A_241 {strides = array<i32>} : memref<128x64xf32, #tpu.memory_space<vmem>>, vector<1x16xf32>,
        %get3A_242 = arith.index_cast %scan3A_231 : i32 to index
        %get3A_243 = arith.constant 16 : index
        %get3A_244 = tpu.vector_load %arg12[%get3A_242, %get3A_243] {strides = array<i32>} : memref<128x64xf32, #tpu.memory_space<vmem>>, vector<1x16xf32>,
        %get3A_245 = vector.shape_cast %get3A_244 : vector<1x16xf32> to vector<16xf32>
        %mul3A_246 = arith.constant 8.000000e+00 : f32
        %mul3A_247 = vector.broadcast %mul3A_246 : f32 to vector<16xf32>
        %mul3A_248 = arith.mulf %get3A_245, %mul3A_247 : vector<16xf32>
        %swap3A_249 = arith.index_cast %scan3A_231 : i32 to index
        %swap3A_250 = arith.constant 16 : index
        %swap3A_251 = tpu.vector_load %arg12[%swap3A_249, %swap3A_250] {strides = array<i32>} : memref<128x64xf32, #tpu.memory_space<vmem>>, vector<1x16xf32>,
        %swap3A_252 = vector.shape_cast %swap3A_251 : vector<1x16xf32> to vector<16xf32>
        %swap3A_253 = vector.shape_cast %mul3A_248 : vector<16xf32> to vector<1x16xf32>
        tpu.vector_store %arg12[%swap3A_249, %swap3A_250], %swap3A_253 {strides = array<i32>} : memref<128x64xf32, #tpu.memory_space<vmem>>, vector<1x16xf32>,
        %get3A_254 = arith.index_cast %scan3A_231 : i32 to index
        %get3A_255 = arith.constant 32 : index
        %get3A_256 = tpu.vector_load %arg12[%get3A_254, %get3A_255] {strides = array<i32>} : memref<128x64xf32, #tpu.memory_space<vmem>>, vector<1x16xf32>,
        %get3A_257 = vector.shape_cast %get3A_256 : vector<1x16xf32> to vector<16xf32>
        %mul3A_258 = arith.constant 8.000000e+00 : f32
        %mul3A_259 = vector.broadcast %mul3A_258 : f32 to vector<16xf32>
        %mul3A_260 = arith.mulf %get3A_257, %mul3A_259 : vector<16xf32>
        %swap3A_261 = arith.index_cast %scan3A_231 : i32 to index
        %swap3A_262 = arith.constant 32 : index
        %swap3A_263 = tpu.vector_load %arg12[%swap3A_261, %swap3A_262] {strides = array<i32>} : memref<128x64xf32, #tpu.memory_space<vmem>>, vector<1x16xf32>,
        %swap3A_264 = vector.shape_cast %swap3A_263 : vector<1x16xf32> to vector<16xf32>
        %swap3A_265 = vector.shape_cast %mul3A_260 : vector<16xf32> to vector<1x16xf32>
        tpu.vector_store %arg12[%swap3A_261, %swap3A_262], %swap3A_265 {strides = array<i32>} : memref<128x64xf32, #tpu.memory_space<vmem>>, vector<1x16xf32>,
        %get3A_266 = arith.index_cast %scan3A_231 : i32 to index
        %get3A_267 = arith.constant 48 : index
        %get3A_268 = tpu.vector_load %arg12[%get3A_266, %get3A_267] {strides = array<i32>} : memref<128x64xf32, #tpu.memory_space<vmem>>, vector<1x16xf32>,
        %get3A_269 = vector.shape_cast %get3A_268 : vector<1x16xf32> to vector<16xf32>
        %mul3A_270 = arith.constant 8.000000e+00 : f32
        %mul3A_271 = vector.broadcast %mul3A_270 : f32 to vector<16xf32>
        %mul3A_272 = arith.mulf %get3A_269, %mul3A_271 : vector<16xf32>
        %swap3A_273 = arith.index_cast %scan3A_231 : i32 to index
        %swap3A_274 = arith.constant 48 : index
        %swap3A_275 = tpu.vector_load %arg12[%swap3A_273, %swap3A_274] {strides = array<i32>} : memref<128x64xf32, #tpu.memory_space<vmem>>, vector<1x16xf32>,
        %swap3A_276 = vector.shape_cast %swap3A_275 : vector<1x16xf32> to vector<16xf32>
        %swap3A_277 = vector.shape_cast %mul3A_272 : vector<16xf32> to vector<1x16xf32>
        tpu.vector_store %arg12[%swap3A_273, %swap3A_274], %swap3A_277 {strides = array<i32>} : memref<128x64xf32, #tpu.memory_space<vmem>>, vector<1x16xf32>,
        %scan3A_278 = arith.constant 1 : i32
        %scan3A_279 = arith.addi %scan3A_231, %scan3A_278 : i32
        %get3A_280 = arith.index_cast %scan3A_279 : i32 to index
        %get3A_281 = arith.constant 0 : index
        %get3A_282 = tpu.vector_load %arg12[%get3A_280, %get3A_281] {strides = array<i32>} : memref<128x64xf32, #tpu.memory_space<vmem>>, vector<1x16xf32>,
        %get3A_283 = vector.shape_cast %get3A_282 : vector<1x16xf32> to vector<16xf32>
        %mul3A_284 = arith.constant 8.000000e+00 : f32
        %mul3A_285 = vector.broadcast %mul3A_284 : f32 to vector<16xf32>
        %mul3A_286 = arith.mulf %get3A_283, %mul3A_285 : vector<16xf32>
        %swap3A_287 = arith.index_cast %scan3A_279 : i32 to index
        %swap3A_288 = arith.constant 0 : index
        %swap3A_289 = tpu.vector_load %arg12[%swap3A_287, %swap3A_288] {strides = array<i32>} : memref<128x64xf32, #tpu.memory_space<vmem>>, vector<1x16xf32>,
        %swap3A_290 = vector.shape_cast %swap3A_289 : vector<1x16xf32> to vector<16xf32>
        %swap3A_291 = vector.shape_cast %mul3A_286 : vector<16xf32> to vector<1x16xf32>
        tpu.vector_store %arg12[%swap3A_287, %swap3A_288], %swap3A_291 {strides = array<i32>} : memref<128x64xf32, #tpu.memory_space<vmem>>, vector<1x16xf32>,
        %get3A_292 = arith.index_cast %scan3A_279 : i32 to index
        %get3A_293 = arith.constant 16 : index
        %get3A_294 = tpu.vector_load %arg12[%get3A_292, %get3A_293] {strides = array<i32>} : memref<128x64xf32, #tpu.memory_space<vmem>>, vector<1x16xf32>,
        %get3A_295 = vector.shape_cast %get3A_294 : vector<1x16xf32> to vector<16xf32>
        %mul3A_296 = arith.constant 8.000000e+00 : f32
        %mul3A_297 = vector.broadcast %mul3A_296 : f32 to vector<16xf32>
        %mul3A_298 = arith.mulf %get3A_295, %mul3A_297 : vector<16xf32>
        %swap3A_299 = arith.index_cast %scan3A_279 : i32 to index
        %swap3A_300 = arith.constant 16 : index
        %swap3A_301 = tpu.vector_load %arg12[%swap3A_299, %swap3A_300] {strides = array<i32>} : memref<128x64xf32, #tpu.memory_space<vmem>>, vector<1x16xf32>,
        %swap3A_302 = vector.shape_cast %swap3A_301 : vector<1x16xf32> to vector<16xf32>
        %swap3A_303 = vector.shape_cast %mul3A_298 : vector<16xf32> to vector<1x16xf32>
        tpu.vector_store %arg12[%swap3A_299, %swap3A_300], %swap3A_303 {strides = array<i32>} : memref<128x64xf32, #tpu.memory_space<vmem>>, vector<1x16xf32>,
        %get3A_304 = arith.index_cast %scan3A_279 : i32 to index
        %get3A_305 = arith.constant 32 : index
        %get3A_306 = tpu.vector_load %arg12[%get3A_304, %get3A_305] {strides = array<i32>} : memref<128x64xf32, #tpu.memory_space<vmem>>, vector<1x16xf32>,
        %get3A_307 = vector.shape_cast %get3A_306 : vector<1x16xf32> to vector<16xf32>
        %mul3A_308 = arith.constant 8.000000e+00 : f32
        %mul3A_309 = vector.broadcast %mul3A_308 : f32 to vector<16xf32>
        %mul3A_310 = arith.mulf %get3A_307, %mul3A_309 : vector<16xf32>
        %swap3A_311 = arith.index_cast %scan3A_279 : i32 to index
        %swap3A_312 = arith.constant 32 : index
        %swap3A_313 = tpu.vector_load %arg12[%swap3A_311, %swap3A_312] {strides = array<i32>} : memref<128x64xf32, #tpu.memory_space<vmem>>, vector<1x16xf32>,
        %swap3A_314 = vector.shape_cast %swap3A_313 : vector<1x16xf32> to vector<16xf32>
        %swap3A_315 = vector.shape_cast %mul3A_310 : vector<16xf32> to vector<1x16xf32>
        tpu.vector_store %arg12[%swap3A_311, %swap3A_312], %swap3A_315 {strides = array<i32>} : memref<128x64xf32, #tpu.memory_space<vmem>>, vector<1x16xf32>,
        %get3A_316 = arith.index_cast %scan3A_279 : i32 to index
        %get3A_317 = arith.constant 48 : index
        %get3A_318 = tpu.vector_load %arg12[%get3A_316, %get3A_317] {strides = array<i32>} : memref<128x64xf32, #tpu.memory_space<vmem>>, vector<1x16xf32>,
        %get3A_319 = vector.shape_cast %get3A_318 : vector<1x16xf32> to vector<16xf32>
        %mul3A_320 = arith.constant 8.000000e+00 : f32
        %mul3A_321 = vector.broadcast %mul3A_320 : f32 to vector<16xf32>
        %mul3A_322 = arith.mulf %get3A_319, %mul3A_321 : vector<16xf32>
        %swap3A_323 = arith.index_cast %scan3A_279 : i32 to index
        %swap3A_324 = arith.constant 48 : index
        %swap3A_325 = tpu.vector_load %arg12[%swap3A_323, %swap3A_324] {strides = array<i32>} : memref<128x64xf32, #tpu.memory_space<vmem>>, vector<1x16xf32>,
        %swap3A_326 = vector.shape_cast %swap3A_325 : vector<1x16xf32> to vector<16xf32>
        %swap3A_327 = vector.shape_cast %mul3A_322 : vector<16xf32> to vector<1x16xf32>
        tpu.vector_store %arg12[%swap3A_323, %swap3A_324], %swap3A_327 {strides = array<i32>} : memref<128x64xf32, #tpu.memory_space<vmem>>, vector<1x16xf32>,
        %scan3A_328 = arith.constant 2 : i32
        %scan3A_329 = arith.addi %scan3A_231, %scan3A_328 : i32
        %get3A_330 = arith.index_cast %scan3A_329 : i32 to index
        %get3A_331 = arith.constant 0 : index
        %get3A_332 = tpu.vector_load %arg12[%get3A_330, %get3A_331] {strides = array<i32>} : memref<128x64xf32, #tpu.memory_space<vmem>>, vector<1x16xf32>,
        %get3A_333 = vector.shape_cast %get3A_332 : vector<1x16xf32> to vector<16xf32>
        %mul3A_334 = arith.constant 8.000000e+00 : f32
        %mul3A_335 = vector.broadcast %mul3A_334 : f32 to vector<16xf32>
        %mul3A_336 = arith.mulf %get3A_333, %mul3A_335 : vector<16xf32>
        %swap3A_337 = arith.index_cast %scan3A_329 : i32 to index
        %swap3A_338 = arith.constant 0 : index
        %swap3A_339 = tpu.vector_load %arg12[%swap3A_337, %swap3A_338] {strides = array<i32>} : memref<128x64xf32, #tpu.memory_space<vmem>>, vector<1x16xf32>,
        %swap3A_340 = vector.shape_cast %swap3A_339 : vector<1x16xf32> to vector<16xf32>
        %swap3A_341 = vector.shape_cast %mul3A_336 : vector<16xf32> to vector<1x16xf32>
        tpu.vector_store %arg12[%swap3A_337, %swap3A_338], %swap3A_341 {strides = array<i32>} : memref<128x64xf32, #tpu.memory_space<vmem>>, vector<1x16xf32>,
        %get3A_342 = arith.index_cast %scan3A_329 : i32 to index
        %get3A_343 = arith.constant 16 : index
        %get3A_344 = tpu.vector_load %arg12[%get3A_342, %get3A_343] {strides = array<i32>} : memref<128x64xf32, #tpu.memory_space<vmem>>, vector<1x16xf32>,
        %get3A_345 = vector.shape_cast %get3A_344 : vector<1x16xf32> to vector<16xf32>
        %mul3A_346 = arith.constant 8.000000e+00 : f32
        %mul3A_347 = vector.broadcast %mul3A_346 : f32 to vector<16xf32>
        %mul3A_348 = arith.mulf %get3A_345, %mul3A_347 : vector<16xf32>
        %swap3A_349 = arith.index_cast %scan3A_329 : i32 to index
        %swap3A_350 = arith.constant 16 : index
        %swap3A_351 = tpu.vector_load %arg12[%swap3A_349, %swap3A_350] {strides = array<i32>} : memref<128x64xf32, #tpu.memory_space<vmem>>, vector<1x16xf32>,
        %swap3A_352 = vector.shape_cast %swap3A_351 : vector<1x16xf32> to vector<16xf32>
        %swap3A_353 = vector.shape_cast %mul3A_348 : vector<16xf32> to vector<1x16xf32>
        tpu.vector_store %arg12[%swap3A_349, %swap3A_350], %swap3A_353 {strides = array<i32>} : memref<128x64xf32, #tpu.memory_space<vmem>>, vector<1x16xf32>,
        %get3A_354 = arith.index_cast %scan3A_329 : i32 to index
        %get3A_355 = arith.constant 32 : index
        %get3A_356 = tpu.vector_load %arg12[%get3A_354, %get3A_355] {strides = array<i32>} : memref<128x64xf32, #tpu.memory_space<vmem>>, vector<1x16xf32>,
        %get3A_357 = vector.shape_cast %get3A_356 : vector<1x16xf32> to vector<16xf32>
        %mul3A_358 = arith.constant 8.000000e+00 : f32
        %mul3A_359 = vector.broadcast %mul3A_358 : f32 to vector<16xf32>
        %mul3A_360 = arith.mulf %get3A_357, %mul3A_359 : vector<16xf32>
        %swap3A_361 = arith.index_cast %scan3A_329 : i32 to index
        %swap3A_362 = arith.constant 32 : index
        %swap3A_363 = tpu.vector_load %arg12[%swap3A_361, %swap3A_362] {strides = array<i32>} : memref<128x64xf32, #tpu.memory_space<vmem>>, vector<1x16xf32>,
        %swap3A_364 = vector.shape_cast %swap3A_363 : vector<1x16xf32> to vector<16xf32>
        %swap3A_365 = vector.shape_cast %mul3A_360 : vector<16xf32> to vector<1x16xf32>
        tpu.vector_store %arg12[%swap3A_361, %swap3A_362], %swap3A_365 {strides = array<i32>} : memref<128x64xf32, #tpu.memory_space<vmem>>, vector<1x16xf32>,
        %get3A_366 = arith.index_cast %scan3A_329 : i32 to index
        %get3A_367 = arith.constant 48 : index
        %get3A_368 = tpu.vector_load %arg12[%get3A_366, %get3A_367] {strides = array<i32>} : memref<128x64xf32, #tpu.memory_space<vmem>>, vector<1x16xf32>,
        %get3A_369 = vector.shape_cast %get3A_368 : vector<1x16xf32> to vector<16xf32>
        %mul3A_370 = arith.constant 8.000000e+00 : f32
        %mul3A_371 = vector.broadcast %mul3A_370 : f32 to vector<16xf32>
        %mul3A_372 = arith.mulf %get3A_369, %mul3A_371 : vector<16xf32>
        %swap3A_373 = arith.index_cast %scan3A_329 : i32 to index
        %swap3A_374 = arith.constant 48 : index
        %swap3A_375 = tpu.vector_load %arg12[%swap3A_373, %swap3A_374] {strides = array<i32>} : memref<128x64xf32, #tpu.memory_space<vmem>>, vector<1x16xf32>,
        %swap3A_376 = vector.shape_cast %swap3A_375 : vector<1x16xf32> to vector<16xf32>
        %swap3A_377 = vector.shape_cast %mul3A_372 : vector<16xf32> to vector<1x16xf32>
        tpu.vector_store %arg12[%swap3A_373, %swap3A_374], %swap3A_377 {strides = array<i32>} : memref<128x64xf32, #tpu.memory_space<vmem>>, vector<1x16xf32>,
        %scan3A_378 = arith.constant 3 : i32
        %scan3A_379 = arith.addi %scan3A_231, %scan3A_378 : i32
        %get3A_380 = arith.index_cast %scan3A_379 : i32 to index
        %get3A_381 = arith.constant 0 : index
        %get3A_382 = tpu.vector_load %arg12[%get3A_380, %get3A_381] {strides = array<i32>} : memref<128x64xf32, #tpu.memory_space<vmem>>, vector<1x16xf32>,
        %get3A_383 = vector.shape_cast %get3A_382 : vector<1x16xf32> to vector<16xf32>
        %mul3A_384 = arith.constant 8.000000e+00 : f32
        %mul3A_385 = vector.broadcast %mul3A_384 : f32 to vector<16xf32>
        %mul3A_386 = arith.mulf %get3A_383, %mul3A_385 : vector<16xf32>
        %swap3A_387 = arith.index_cast %scan3A_379 : i32 to index
        %swap3A_388 = arith.constant 0 : index
        %swap3A_389 = tpu.vector_load %arg12[%swap3A_387, %swap3A_388] {strides = array<i32>} : memref<128x64xf32, #tpu.memory_space<vmem>>, vector<1x16xf32>,
        %swap3A_390 = vector.shape_cast %swap3A_389 : vector<1x16xf32> to vector<16xf32>
        %swap3A_391 = vector.shape_cast %mul3A_386 : vector<16xf32> to vector<1x16xf32>
        tpu.vector_store %arg12[%swap3A_387, %swap3A_388], %swap3A_391 {strides = array<i32>} : memref<128x64xf32, #tpu.memory_space<vmem>>, vector<1x16xf32>,
        %get3A_392 = arith.index_cast %scan3A_379 : i32 to index
        %get3A_393 = arith.constant 16 : index
        %get3A_394 = tpu.vector_load %arg12[%get3A_392, %get3A_393] {strides = array<i32>} : memref<128x64xf32, #tpu.memory_space<vmem>>, vector<1x16xf32>,
        %get3A_395 = vector.shape_cast %get3A_394 : vector<1x16xf32> to vector<16xf32>
        %mul3A_396 = arith.constant 8.000000e+00 : f32
        %mul3A_397 = vector.broadcast %mul3A_396 : f32 to vector<16xf32>
        %mul3A_398 = arith.mulf %get3A_395, %mul3A_397 : vector<16xf32>
        %swap3A_399 = arith.index_cast %scan3A_379 : i32 to index
        %swap3A_400 = arith.constant 16 : index
        %swap3A_401 = tpu.vector_load %arg12[%swap3A_399, %swap3A_400] {strides = array<i32>} : memref<128x64xf32, #tpu.memory_space<vmem>>, vector<1x16xf32>,
        %swap3A_402 = vector.shape_cast %swap3A_401 : vector<1x16xf32> to vector<16xf32>
        %swap3A_403 = vector.shape_cast %mul3A_398 : vector<16xf32> to vector<1x16xf32>
        tpu.vector_store %arg12[%swap3A_399, %swap3A_400], %swap3A_403 {strides = array<i32>} : memref<128x64xf32, #tpu.memory_space<vmem>>, vector<1x16xf32>,
        %get3A_404 = arith.index_cast %scan3A_379 : i32 to index
        %get3A_405 = arith.constant 32 : index
        %get3A_406 = tpu.vector_load %arg12[%get3A_404, %get3A_405] {strides = array<i32>} : memref<128x64xf32, #tpu.memory_space<vmem>>, vector<1x16xf32>,
        %get3A_407 = vector.shape_cast %get3A_406 : vector<1x16xf32> to vector<16xf32>
        %mul3A_408 = arith.constant 8.000000e+00 : f32
        %mul3A_409 = vector.broadcast %mul3A_408 : f32 to vector<16xf32>
        %mul3A_410 = arith.mulf %get3A_407, %mul3A_409 : vector<16xf32>
        %swap3A_411 = arith.index_cast %scan3A_379 : i32 to index
        %swap3A_412 = arith.constant 32 : index
        %swap3A_413 = tpu.vector_load %arg12[%swap3A_411, %swap3A_412] {strides = array<i32>} : memref<128x64xf32, #tpu.memory_space<vmem>>, vector<1x16xf32>,
        %swap3A_414 = vector.shape_cast %swap3A_413 : vector<1x16xf32> to vector<16xf32>
        %swap3A_415 = vector.shape_cast %mul3A_410 : vector<16xf32> to vector<1x16xf32>
        tpu.vector_store %arg12[%swap3A_411, %swap3A_412], %swap3A_415 {strides = array<i32>} : memref<128x64xf32, #tpu.memory_space<vmem>>, vector<1x16xf32>,
        %get3A_416 = arith.index_cast %scan3A_379 : i32 to index
        %get3A_417 = arith.constant 48 : index
        %get3A_418 = tpu.vector_load %arg12[%get3A_416, %get3A_417] {strides = array<i32>} : memref<128x64xf32, #tpu.memory_space<vmem>>, vector<1x16xf32>,
        %get3A_419 = vector.shape_cast %get3A_418 : vector<1x16xf32> to vector<16xf32>
        %mul3A_420 = arith.constant 8.000000e+00 : f32
        %mul3A_421 = vector.broadcast %mul3A_420 : f32 to vector<16xf32>
        %mul3A_422 = arith.mulf %get3A_419, %mul3A_421 : vector<16xf32>
        %swap3A_423 = arith.index_cast %scan3A_379 : i32 to index
        %swap3A_424 = arith.constant 48 : index
        %swap3A_425 = tpu.vector_load %arg12[%swap3A_423, %swap3A_424] {strides = array<i32>} : memref<128x64xf32, #tpu.memory_space<vmem>>, vector<1x16xf32>,
        %swap3A_426 = vector.shape_cast %swap3A_425 : vector<1x16xf32> to vector<16xf32>
        %swap3A_427 = vector.shape_cast %mul3A_422 : vector<16xf32> to vector<1x16xf32>
        tpu.vector_store %arg12[%swap3A_423, %swap3A_424], %swap3A_427 {strides = array<i32>} : memref<128x64xf32, #tpu.memory_space<vmem>>, vector<1x16xf32>,
      }
      %scan3A_215 = arith.constant 128 : i32
      %mul3A_216 = arith.constant 128 : i32
      %mul3A_217 = arith.muli %add3A, %mul3A_216 : i32
      %dma_start3A_218 = arith.constant 0 : i32
      %dma_start3A_219 = tpu.memref_slice %arg4[%mul3A_217, %add3A_191, %dma_start3A_218] : memref<4096x200x64xf32, #tpu.memory_space<hbm>> -> memref<128x1x64xf32, #tpu.memory_space<hbm>>
      %dma_start3A_220 = tpu.memref_squeeze %dma_start3A_219 : memref<128x1x64xf32, #tpu.memory_space<hbm>> -> memref<128x64xf32, #tpu.memory_space<hbm>>
      %dma_start3A_221 = arith.constant 0 : i32
      %dma_start3A_222 = tpu.memref_slice %arg4[%mul3A_217, %add3A_191, %dma_start3A_221] : memref<4096x200x64xf32, #tpu.memory_space<hbm>> -> memref<128x1x64xf32, #tpu.memory_space<hbm>>
      %dma_start3A_223 = tpu.memref_squeeze %dma_start3A_222 : memref<128x1x64xf32, #tpu.memory_space<hbm>> -> memref<128x64xf32, #tpu.memory_space<hbm>>
      tpu.enqueue_dma source(%arg12 : memref<128x64xf32, #tpu.memory_space<vmem>>) target(%dma_start3A_223 : memref<128x64xf32, #tpu.memory_space<hbm>>) target_semaphore(%arg24 : memref<!tpu.dma_semaphore, #tpu.memory_space<semaphore_mem>>)
      %add3A_224 = arith.constant 2 : i32
      %add3A_225 = arith.addi %add3A_191, %add3A_224 : i32
      %lt3A_226 = arith.constant 200 : i32
      %lt3A_227 = arith.cmpi slt, %add3A_225, %lt3A_226 : i32
      %convert_element_type3A_228 = arith.extui %lt3A_227 : i1 to i32
      %cond3A_229 = arith.constant 0 : i32
      %cond3A_230 = arith.cmpi ne, %convert_element_type3A_228, %cond3A_229 : i32
      scf.if %cond3A_230 {
        %dma_wait3A_231 = arith.constant 0 : i32
        %dma_wait3A_232 = arith.constant 0 : i32
        %dma_wait3A_233 = arith.constant 0 : i32
        %dma_wait3A_234 = arith.constant 0 : i32
        %dma_wait3A_235 = tpu.memref_slice %arg2[%dma_wait3A_231, %dma_wait3A_232, %dma_wait3A_233, %dma_wait3A_234] : memref<25x32x8x128xi32, #tpu.memory_space<hbm>> -> memref<1x1x1x128xi32, #tpu.memory_space<hbm>>
        %dma_wait3A_236 = tpu.memref_squeeze %dma_wait3A_235 : memref<1x1x1x128xi32, #tpu.memory_space<hbm>> -> memref<128xi32, #tpu.memory_space<hbm>>
        %dma_wait3A_237 = arith.constant 0 : i32
        %dma_wait3A_238 = tpu.memref_slice %arg2[%dma_wait3A_231, %dma_wait3A_232, %dma_wait3A_233, %dma_wait3A_237] : memref<25x32x8x128xi32, #tpu.memory_space<hbm>> -> memref<1x1x1x128xi32, #tpu.memory_space<hbm>>
        %dma_wait3A_239 = tpu.memref_squeeze %dma_wait3A_238 : memref<1x1x1x128xi32, #tpu.memory_space<hbm>> -> memref<128xi32, #tpu.memory_space<hbm>>
        tpu.wait_dma2 semaphore(%arg14 : memref<!tpu.dma_semaphore, #tpu.memory_space<semaphore_mem>>) src(%dma_wait3A_239 : memref<128xi32, #tpu.memory_space<hbm>>) dst(%arg6 : memref<128xi32, #tpu.memory_space<vmem>>)
        %dma_start3A_240 = arith.constant 0 : i32
        %dma_start3A_241 = arith.constant 0 : i32
        %dma_start3A_242 = tpu.memref_slice %arg3[%dma_start3A_240, %dma_start3A_241] : memref<1000000x64xf32, #tpu.memory_space<hbm>> -> memref<1000000x64xf32, #tpu.memory_space<hbm>>
        tpu.enqueue_indirect_dma source(%dma_start3A_242 : memref<1000000x64xf32, #tpu.memory_space<hbm>>) target(%arg10 : memref<128x64xf32, #tpu.memory_space<vmem>>) offsets(%arg6 : memref<128xi32, #tpu.memory_space<vmem>>) semaphore(%arg18 : memref<!tpu.dma_semaphore, #tpu.memory_space<semaphore_mem>>)
      } else {
      }
    }
    %scan3A_44 = arith.constant 50 : i32
    %dma_wait3A = arith.constant 0 : i32
    %dma_wait3A_45 = arith.constant 0 : i32
    %dma_wait3A_46 = tpu.memref_slice %arg3[%dma_wait3A, %dma_wait3A_45] : memref<1000000x64xf32, #tpu.memory_space<hbm>> -> memref<128x64xf32, #tpu.memory_space<hbm>>
    %dma_wait3A_47 = arith.constant 0 : i32
    %dma_wait3A_48 = arith.constant 0 : i32
    %dma_wait3A_49 = tpu.memref_slice %arg3[%dma_wait3A_47, %dma_wait3A_48] : memref<1000000x64xf32, #tpu.memory_space<hbm>> -> memref<128x64xf32, #tpu.memory_space<hbm>>
    tpu.wait_dma2 semaphore(%arg21 : memref<!tpu.dma_semaphore, #tpu.memory_space<semaphore_mem>>) src(%dma_wait3A_49 : memref<128x64xf32, #tpu.memory_space<hbm>>) dst(%arg9 : memref<128x64xf32, #tpu.memory_space<vmem>>)
    %dma_wait3A_50 = arith.constant 0 : i32
    %dma_wait3A_51 = arith.constant 0 : i32
    %dma_wait3A_52 = tpu.memref_slice %arg3[%dma_wait3A_50, %dma_wait3A_51] : memref<1000000x64xf32, #tpu.memory_space<hbm>> -> memref<128x64xf32, #tpu.memory_space<hbm>>
    %dma_wait3A_53 = arith.constant 0 : i32
    %dma_wait3A_54 = arith.constant 0 : i32
    %dma_wait3A_55 = tpu.memref_slice %arg3[%dma_wait3A_53, %dma_wait3A_54] : memref<1000000x64xf32, #tpu.memory_space<hbm>> -> memref<128x64xf32, #tpu.memory_space<hbm>>
    tpu.wait_dma2 semaphore(%arg22 : memref<!tpu.dma_semaphore, #tpu.memory_space<semaphore_mem>>) src(%dma_wait3A_55 : memref<128x64xf32, #tpu.memory_space<hbm>>) dst(%arg10 : memref<128x64xf32, #tpu.memory_space<vmem>>)
    %dma_wait3A_56 = arith.constant 0 : i32
    %dma_wait3A_57 = arith.constant 0 : i32
    %dma_wait3A_58 = tpu.memref_slice %arg3[%dma_wait3A_56, %dma_wait3A_57] : memref<1000000x64xf32, #tpu.memory_space<hbm>> -> memref<128x64xf32, #tpu.memory_space<hbm>>
    %dma_wait3A_59 = arith.constant 0 : i32
    %dma_wait3A_60 = arith.constant 0 : i32
    %dma_wait3A_61 = tpu.memref_slice %arg3[%dma_wait3A_59, %dma_wait3A_60] : memref<1000000x64xf32, #tpu.memory_space<hbm>> -> memref<128x64xf32, #tpu.memory_space<hbm>>
    tpu.wait_dma2 semaphore(%arg23 : memref<!tpu.dma_semaphore, #tpu.memory_space<semaphore_mem>>) src(%dma_wait3A_61 : memref<128x64xf32, #tpu.memory_space<hbm>>) dst(%arg11 : memref<128x64xf32, #tpu.memory_space<vmem>>)
    %dma_wait3A_62 = arith.constant 0 : i32
    %dma_wait3A_63 = arith.constant 0 : i32
    %dma_wait3A_64 = tpu.memref_slice %arg3[%dma_wait3A_62, %dma_wait3A_63] : memref<1000000x64xf32, #tpu.memory_space<hbm>> -> memref<128x64xf32, #tpu.memory_space<hbm>>
    %dma_wait3A_65 = arith.constant 0 : i32
    %dma_wait3A_66 = arith.constant 0 : i32
    %dma_wait3A_67 = tpu.memref_slice %arg3[%dma_wait3A_65, %dma_wait3A_66] : memref<1000000x64xf32, #tpu.memory_space<hbm>> -> memref<128x64xf32, #tpu.memory_space<hbm>>
    tpu.wait_dma2 semaphore(%arg24 : memref<!tpu.dma_semaphore, #tpu.memory_space<semaphore_mem>>) src(%dma_wait3A_67 : memref<128x64xf32, #tpu.memory_space<hbm>>) dst(%arg12 : memref<128x64xf32, #tpu.memory_space<vmem>>)
    return
  }
}

</mosaic_0001>

<sc_bundles>
// kernel: kernel.3.cloned.1.call-start
scs
__scs_entry_jumppad:
0x0: {  	(pc) =	sbr.rel $0x88, $3  }
0x1: {  	(tag) =	ssettag $0x0;
	lr =	simm.s32 $0x1  }
0x2: {  	[smem:$0x3F9F] =	sst lr;
	_ =	strace $0xD0000000  }
0x3: {  	_ = 	snop  }
0x4: {  	_ = 	snop  }
0x5: {  	_ = 	snop  }
0x6: {  	_ = 	snop  }
0x7: {  	_ = 	snop  }
__scs_overlays_trampoline_lowered:
0x8: {  	[smem:$0x3FAE] =	sst s0  }
0x9: {  	[smem:$0x3FAF] =	sst s1  }
0xa: {  	[smem:$0x3FB0] =	sst s2  }
0xb: {  	[smem:$0x3FB1] =	sst s3  }
0xc: {  	[smem:$0x3FB2] =	sst s4  }
0xd: {  	[smem:$0x3FB3] =	sst s5  }
0xe: {  	[smem:$0x3FB4] =	sst s6  }
0xf: {  	[smem:$0x3FB5] =	sst s7  }
0x10: {  	[smem:$0x3FB6] =	sst s8  }
0x11: {  	[smem:$0x3FB7] =	sst s9;
	s0 =	simm.s32 @!p0 $0x0  }
0x12: {  	s1 =	sld [smem:$0x3F9D];
	s0 =	simm.s32 @p0 $0x1  }
0x13: {  	[smem:$0x3FB8] =	sst s0;
	s0 =	simm.s32 @!p1 $0x0  }
0x14: {  	s2 =	sld [smem:$0x3F9C];
	s0 =	simm.s32 @p1 $0x1  }
0x15: {  	[smem:$0x3FB9] =	sst s0;
	s0 =	simm.s32 @!p2 $0x0  }
0x16: {  	s3 =	sld [smem:$0x3FDB];
	s0 =	simm.s32 @p2 $0x1  }
0x17: {  	s4 =	simm.s32 $0x1BF5;
	[smem:$0x3FBB] =	sst s0  }
0x18: {  	s0 =	sld [smem:$0x3F9E];
	_ =	swait.ge [sflag:s4], $0x0  }
0x19: {  	s7 =	sld [smem:$0x3F9F]  }
0x1a: {  	s8 =	sadd.s32 $0xFFFFE003, lr  }
0x1b: {  	s9 =	sadd.s32 $0xFFFFFEF7, lr;
	s5 =	simm.s32 $0xFFFFFFFF;
	p2 =	slt.u32 s8, $0xFFFFF086  }
0x1c: {  	p1 =	slt.u32 s9, $0xF7A;
	s5 =	simm.s32 @!p2 $0x0  }
0x1d: {  	s5 =	simm.s32 @p1 $0x1;
	p0 =	seq.s32 s7, s2  }
0x1e: {  	s7 =	smul.u32 @!p0 $0xF7A, s2;
	p2 =	seq.s32 @!p0 s5, $0x0  }
0x1f: {  	s9 =	smul.u32 $0xF7A, s1;
	s8 =	simm.s32 @!p0 $0x1BF5;
	p2 =	por !p2, p0  }
0x20: {  	[sflag:s8] =	ssyncset.s32 @!p0 $0xFFFFF086;
	s6 =	sadd.s32 @!p0 s3, s7;
	s7 =	simm.s32 @!p0 $0x108  }
0x21: {  	s3 =	sadd.s32 s3, s9;
	s6 =	sadd.s32 @!p0 $0x88, s6;
	s7 =	simm.s32 @p2 $0x1082  }
0x22: {  	[simem:s7], [sflag:s8] =	dma.local @!p0 [hbm:s6], $0xF7A  }
0x23: {  	s9 =	sor.u32 $0xD0000000, s2;
	s6 =	simm.s32 $0x108;
	_ =	swait.ge @!p0 [sflag:s8], $0x0  }
0x24: {  	s3 =	sadd.s32 $0x88, s3;
	s6 =	simm.s32 @!p1 $0x1082;
	[sflag:s4] =	ssyncset.s32 $0xFFFFF086  }
0x25: {  	[simem:s6], [sflag:s4] =	dma.local [hbm:s3], $0xF7A  }
0x26: {  	[smem:$0x3F9F] =	sst s1;
	(tag) =	ssettag s2;
	_ =	strace s9  }
0x27: {  	s1 =	sld [smem:$0x3FAF]  }
0x28: {  	s2 =	sld [smem:$0x3FB0]  }
0x29: {  	s4 =	sld [smem:$0x3FB2]  }
0x2a: {  	p0 =	seq.s32 s5, $0x0;
	s5 =	sld [smem:$0x3FB3]  }
0x2b: {  	s6 =	sld [smem:$0x3FB4]  }
0x2c: {  	s7 =	sld [smem:$0x3FB5]  }
0x2d: {  	s3 =	simm.s32 $0x108;
	s8 =	sld [smem:$0x3FB6]  }
0x2e: {  	s3 =	simm.s32 @!p0 $0x1082;
	s9 =	sld [smem:$0x3FB7]  }
0x2f: {  	lr =	sadd.s32 s0, s3;
	s0 =	sld [smem:$0x3FAE]  }
0x30: {  	s3 =	sld [smem:$0x3FB1]  }
0x31: {  	[smem:$0x3FBA] =	sst s10  }
0x32: {  	s10 =	sld [smem:$0x3FB8];
	_ =	sdelay $0x3  }
0x33: {  	p0 =	seq.s32 s10, $0x1;
	s10 =	sld [smem:$0x3FBA];
	_ =	sdelay $0x3  }
0x34: {  	[smem:$0x3FBA] =	sst s10  }
0x35: {  	s10 =	sld [smem:$0x3FB9];
	_ =	sdelay $0x3  }
0x36: {  	p1 =	seq.s32 s10, $0x1;
	s10 =	sld [smem:$0x3FBA];
	_ =	sdelay $0x3  }
0x37: {  	[smem:$0x3FBA] =	sst s10  }
0x38: {  	s10 =	sld [smem:$0x3FBB]  }
0x39: {  	_ = 	snop;
	(pc) =	sbr.ind lr, $3  }
0x3a: {  	_ = 	snop  }
0x3b: {  	_ = 	snop  }
0x3c: {  	p2 =	seq.s32 s10, $0x1;
	s10 =	sld [smem:$0x3FBA]  }
0x3d: {  	_ =	shalt  }
0x3e: {  	_ =	shalt  }
0x3f: {  	_ =	shalt  }
0x40: {  	_ =	shalt  }
0x41: {  	_ =	shalt  }
0x42: {  	_ =	shalt  }
0x43: {  	_ =	shalt  }
0x44: {  	_ =	shalt  }
0x45: {  	_ =	shalt  }
0x46: {  	_ =	shalt  }
0x47: {  	_ =	shalt  }
0x48: {  	_ =	shalt  }
0x49: {  	_ =	shalt  }
0x4a: {  	_ =	shalt  }
0x4b: {  	_ =	shalt  }
0x4c: {  	_ =	shalt  }
0x4d: {  	_ =	shalt  }
0x4e: {  	_ =	shalt  }
0x4f: {  	_ =	shalt  }
0x50: {  	_ =	shalt  }
0x51: {  	_ =	shalt  }
0x52: {  	_ =	shalt  }
0x53: {  	_ =	shalt  }
0x54: {  	_ =	shalt  }
0x55: {  	_ =	shalt  }
0x56: {  	_ =	shalt  }
0x57: {  	_ =	shalt  }
0x58: {  	_ =	shalt  }
0x59: {  	_ =	shalt  }
0x5a: {  	_ =	shalt  }
0x5b: {  	_ =	shalt  }
0x5c: {  	_ =	shalt  }
0x5d: {  	_ =	shalt  }
0x5e: {  	_ =	shalt  }
0x5f: {  	_ =	shalt  }
0x60: {  	_ =	shalt  }
0x61: {  	_ =	shalt  }
0x62: {  	_ =	shalt  }
0x63: {  	_ =	shalt  }
0x64: {  	_ =	shalt  }
0x65: {  	_ =	shalt  }
0x66: {  	_ =	shalt  }
0x67: {  	_ =	shalt  }
0x68: {  	_ =	shalt  }
0x69: {  	_ =	shalt  }
0x6a: {  	_ =	shalt  }
0x6b: {  	_ =	shalt  }
0x6c: {  	_ =	shalt  }
0x6d: {  	_ =	shalt  }
0x6e: {  	_ =	shalt  }
0x6f: {  	_ =	shalt  }
0x70: {  	_ =	shalt  }
0x71: {  	_ =	shalt  }
0x72: {  	_ =	shalt  }
0x73: {  	_ =	shalt  }
0x74: {  	_ =	shalt  }
0x75: {  	_ =	shalt  }
0x76: {  	_ =	shalt  }
0x77: {  	_ =	shalt  }
0x78: {  	_ =	shalt  }
0x79: {  	_ =	shalt  }
0x7a: {  	_ =	shalt  }
0x7b: {  	_ =	shalt  }
0x7c: {  	_ =	shalt  }
0x7d: {  	_ =	shalt  }
0x7e: {  	_ =	shalt  }
0x7f: {  	_ =	shalt  }
0x80: {  	_ =	shalt  }
0x81: {  	_ =	shalt  }
0x82: {  	_ =	shalt  }
0x83: {  	_ =	shalt  }
0x84: {  	_ =	shalt  }
0x85: {  	_ =	shalt  }
0x86: {  	_ =	shalt  }
0x87: {  	_ =	shalt  }
.Lfunc_end0:
.L_simem_size_0:
called_computation.1_lowered:
.L_overlay_start_0:
0x88: {  	s2 =	sld [smem:$0x3FD9]  }
0x89: {  	s3 =	sld [smem:$0x3FFE];
	_ =	sdelay $0x1  }
0x8a: {  	s1 =	srdreg.scid  }
0x8b: {  	s0 =	sand.u32 $0x1, s1  }
0x8c: {  	s17 =	sshll.u32 s0, $0xA;
	s2 =	sadd.s32 s3, s2  }
0x8d: {  	s2 =	sadd.s32 s2, s17  }
0x8e: {  	[smem:$0x3FC6] =	sst s2  }
0x8f: {  	_ = 	snop  }
0x90: {  	s2 =	sld [smem:$0x3FC9]  }
0x91: {  	s18 =	sld [smem:$0x3FD0];
	(tm) =	ssettm $0x1  }
0x92: {  	s4 =	sld [smem:$0x3FFB];
	_ =	sdelay $0x3  }
0x93: {  	_ =	strace s4  }
0x94: {  	s4 =	sld [smem:$0x3FFC];
	_ =	sdelay $0x3  }
0x95: {  	_ =	strace s4  }
0x96: {  	s4 =	sld [smem:$0x3FFD];
	_ =	sdelay $0x3  }
0x97: {  	_ =	strace s4  }
0x98: {  	_ =	strace $0x8FFFFFFF  }
0x99: {  	s19 =	sld [smem:$0x3FDB];
	_ =	sdelay $0x1  }
0x9a: {  	s5 =	simm.s32 $_scs_section_size  }
0x9b: {  	s6 =	simm.s32 $_size__tile_overlayer_lowered;
	s7 =	simm.s32 $_tile_overlayer_lowered  }
0x9c: {  	s22 =	simm.s32 $0x1BFF;
	s21 =	sshll.u32 s7, $0x1;
	s4 =	sadd.s32 s5, s19  }
0x9d: {  	s8 =	simm.s32 $0x0;
	s20 =	sshll.u32 s6, $0x1;
	s6 =	sadd.s32 s21, s4  }
0x9e: {  	[timem:s8], [sflag:s22] =	dma.local [hbm:s6], s20  }
0x9f: {  	_ =	swait.ge [sflag:s22], s20  }
0xa0: {  	s5 =	ssub.s32 $0x0, s20;
	[sflag:s22] =	ssyncset.done $0x0  }
0xa1: {  	[sflag:s22] =	ssyncadd.s32 s5;
	_ =	sdelay $0x1  }
0xa2: {  	s23 =	simm.s32 $0x1B8B  }
0xa3: {  	_ =	swait.ge [sflag:s23], $0x1  }
0xa4: {  	[sflag:s23] =	ssyncset.done $0x0  }
0xa5: {  	s25 =	simm.s32 $0x1B8E;
	s24 =	sld [smem:$0x3FFE];
	[sflag:s23] =	ssyncadd.s32 $0xFFFFFFFF  }
0xa6: {  	s26 =	simm.s32 $execute0_lowered;
	[smem:$0x3FD2] =	sst s25  }
0xa7: {  	s6 =	sshll.u32 s26, $0x1;
	_ =	strace $0x80000046;
	[dreg:$0x1] =	wrdreg $0xFFFFFFFF  }
0xa8: {  	s28 =	simm.s32 $_size_execute0_lowered;
	s4 =	sadd.s32 s4, s6;
	[dreg:$0x0] =	wrdreg $0x0  }
0xa9: {  	s6 =	sshll.u32 s28, $0x1;
	[dreg:$0x2] =	wrdreg s4  }
0xaa: {  	[dreg:$0x3] =	wrdreg s6  }
0xab: {  	[dreg:$0x4] =	wrdreg $0xC0  }
0xac: {  	_ =	task [dreg:s8], $0x5FFFF  }
0xad: {  	[dreg:$0x1] =	wrdreg $0xFFFFFFFF  }
0xae: {  	[dreg:$0x0] =	wrdreg $0x60  }
0xaf: {  	[dreg:$0x2] =	wrdreg s2  }
0xb0: {  	[dreg:$0x3] =	wrdreg s24  }
0xb1: {  	[dreg:$0x4] =	wrdreg s18  }
0xb2: {  	[dreg:$0x5] =	wrdreg $0x9  }
0xb3: {  	_ =	task.clear_ibuf [dreg:s8], $0x6FFFF;
	_ =	strace $0x90000046  }
0xb4: {  	s29 =	simm.s32 $0x9;
	_ =	strace $0x80000048  }
0xb5: {  	_ =	swait.ge [sflag:s29], $0x1  }
0xb6: {  	[sflag:s29] =	ssyncadd.s32 $0xFFFFFFFF  }
0xb7: {  	_ =	strace $0x90000048  }
0xb8: {  	_ =	sfence  }
0xb9: {  	s30 =	sld [smem:$0x0];
	_ =	sdelay $0x2  }
0xba: {  	s31 =	sshll.u32 s1, $0xD;
	s1 =	sshrl.u32 s1, $0x2  }
0xbb: {  	s3 =	sand.u32 $0x4000, s31;
	s1 =	sadd.s32 s1, s30  }
0xbc: {  	s0 =	sor.u32 s3, s0;
	s1 =	sshll.u32 s1, $0x11  }
0xbd: {  	s0 =	sor.u32 s1, s0  }
0xbe: {  	s0 =	sadd.s32 $0x8F2B, s0  }
0xbf: {  	[sflag:s0] =	ssyncadd.remote.s32 $0x1  }
0xc0: {  	_ =	sfence.sel $0xFFFF  }
0xc1: {  	[dreg:$0x0] =	wrdreg $0xFFFFFFFF;
	(pc) =	sbr.abs _section_cstart, $3  }
0xc2: {  	[dreg:$0x1] =	wrdreg $0xFFFFFFFF  }
0xc3: {  	_ =	task.clear_ibuf [dreg:s8], $0x2FFFF;
	_ =	strace $0x9FFFFFFF  }
0xc4: {  	(tm) =	ssettm $0x7FFFFFFF  }
0xc5: {  	_ =	shalt  }
tec
execute0_lowered:
.L_overlay_start_1:
0x0: {  	(tag) =	ssettag $0x1  }
0x1: {  	s1 =	rddreg [dreg:$0x0]  }
0x2: {  	s0 =	rddreg [dreg:$0x1]  }
0x3: {  	s3 =	rddreg [dreg:$0x2];
	s2 =	srdreg.scid;
	s4 =	simm.s32 $0x0  }
0x4: {  	s5 =	stileid.u32;
	s17 =	simm.s32 $0x80;
	s28 =	simm.s32 $0x6  }
0x5: {  	s29 =	simm.s32 $0x4;
	s30 =	simm.s32 $0x6200;
	s31 =	simm.s32 $0x7  }
0x6: {  	s9 =	simm.s32 $0x9;
	s11 =	simm.s32 $0xB;
	s15 =	simm.s32 $0x2  }
0x7: {  	s7 =	simm.s32 $0x1;
	s10 =	simm.s32 $0x0;
	s2 =	sand.u32 $0x1, s2  }
0x8: {  	[smem:$0x7FF] =	sst s4;
	s5 =	sshll.u32 s5, $0x1;
	s21 =	ssub.s32 $0x2, s2  }
0x9: {  	_ =	strace $0x80000047;
	s2 =	sor.u32 s2, s5;
	s5 =	sadd.s32 $0xF42C00, s0  }
0xa: {  	s6 =	sshrl.u32 s21, $0x1;
	s23 =	sshll.u32 s2, $0x7;
	s8 =	smul.u32 $0x190000, s2  }
0xb: {  	s22 =	ssub.s32 s21, s6;
	s6 =	sshll.u32 s2, $0xA;
	s4 =	sadd.s32 s1, s23  }
0xc: {  	s21 =	simm.s32 $0x2200;
	s23 =	simm.s32 $0x40;
	s2 =	simm.s32 $0xC  }
0xd: {  	s24 =	sadd.s32 $0x10, s4;
	s25 =	sadd.s32 $0x20, s4;
	[dreg:$0x4] =	wrdreg s4  }
.Ltmp0:
0xe: {  	s26 =	sadd.s32 $0x30, s4;
	[dreg:$0x5] =	wrdreg s24;
	(pc) =	sbr.rel .LBB2_1-.Ltmp0, $4  }
0xf: {  	s12 =	sor.u32 $0x40, s8;
	s13 =	sor.u32 $0x80, s8;
	[dreg:$0x6] =	wrdreg s25  }
0x10: {  	s14 =	sor.u32 $0xC0, s8;
	s0 =	smax.u32 s22, $0x1;
	[dreg:$0x7] =	wrdreg s26  }
0x11: {  	s22 =	simm.s32 $0x5;
	[dreg:$0x8] =	wrdreg s0;
	s24 =	simm.s32 $0x3200  }
0x12: {  	s25 =	simm.s32 $0x3;
	s26 =	simm.s32 $0x4200;
	s0 =	simm.s32 $0x8  }
.LBB2_19:
0x13: {  	_ =	swait.ge [sflag:s9], $0x2000  }
0x14: {  	[sflag:s9] =	ssyncset.done $0x0  }
0x15: {  	s4 =	simm.s32 $0xA;
	[sflag:s9] =	ssyncadd.s32 $0xFFFFE000  }
0x16: {  	_ =	swait.ge [sflag:s4], $0x2000  }
0x17: {  	[sflag:s4] =	ssyncset.done $0x0  }
0x18: {  	[sflag:s4] =	ssyncadd.s32 $0xFFFFE000  }
0x19: {  	_ =	swait.ge [sflag:s11], $0x2000  }
0x1a: {  	[sflag:s11] =	ssyncset.done $0x0  }
0x1b: {  	[sflag:s11] =	ssyncadd.s32 $0xFFFFE000  }
0x1c: {  	_ =	swait.ge [sflag:s2], $0x2000  }
0x1d: {  	s10 =	rddreg [dreg:$0x9]  }
0x1e: {  	s20 =	rddreg [dreg:$0x8];
	s10 =	sadd.s32 $0x1, s10  }
0x1f: {  	p0 =	sne.s32 s10, s20  }
.Ltmp1:
0x20: {  	_ = 	snop;
	(pc) =	sbr.rel @!p0 .LBB2_20-.Ltmp1, $3  }
0x21: {  	_ =	sdelay $0x1  }
0x22: {  	[sflag:s2] =	ssyncset.done $0x0  }
0x23: {  	[sflag:s2] =	ssyncadd.s32 $0xFFFFE000  }
.LBB2_1:
0x24: {  	s4 =	simm.s32 $0x0;
	s16 =	rddreg [dreg:$0x4]  }
0x25: {  	[tilespmem:s4], [sflag:$0xD] =	stream.linear.gather [hbm4b:s16+s4], $0x80, $0x38;
	[tilespmem:$0x8200] =	vst v63  }
0x26: {  	[dreg:$0x9] =	wrdreg s10;
	s16 =	simm.s32 $0xD  }
0x27: {  	_ =	swait.ge [sflag:s16], $0x80  }
0x28: {  	[sflag:s16] =	ssyncset.done $0x0  }
0x29: {  	s18 =	rddreg [dreg:$0x5];
	[sflag:s16] =	ssyncadd.s32 $0xFFFFFF80  }
0x2a: {  	[tilespmem:s17], [sflag:$0xD] =	stream.linear.gather [hbm4b:s18+s4], $0x80, $0x38;
	[tilespmem:$0x8200] =	vst v63  }
0x2b: {  	_ =	swait.ge [sflag:s16], $0x80  }
0x2c: {  	[sflag:s16] =	ssyncset.done $0x0  }
0x2d: {  	s20 =	simm.s32 $0x100;
	s19 =	rddreg [dreg:$0x6];
	[sflag:s16] =	ssyncadd.s32 $0xFFFFFF80  }
0x2e: {  	[tilespmem:s20], [sflag:$0x3] =	stream.linear.gather [hbm4b:s19+s4], $0x80, $0x38;
	[tilespmem:$0x8200] =	vst v63  }
0x2f: {  	s18 =	rddreg [dreg:$0x7];
	s19 =	simm.s32 $0x180  }
0x30: {  	[tilespmem:s19], [sflag:$0x4] =	stream.linear.gather [hbm4b:s18+s4], $0x80, $0x38;
	[tilespmem:$0x8200] =	vst v63  }
0x31: {  	s20 =	simm.s32 $0x200  }
0x32: {  	[tilespmem:s20], [sflag:$0x5] =	stream.indirect.gather [hbm4b:s5+s17], $0x40, s4, s17, $0xb8;
	[tilespmem:$0x8200] =	vst v63  }
0x33: {  	s16 =	simm.s32 $0x0  }
0x34: {  	[tilespmem:s21], [sflag:$0x6] =	stream.indirect.gather [hbm4b:s5+s17], $0x40, s17, s17, $0xb8;
	[tilespmem:$0x8200] =	vst v63  }
.LBB2_2:
0x35: {  	s10 =	sshll.u32 s16, $0x2;
	p0 =	seq.s32 s16, $0x31  }
0x36: {  	s4 =	sadd.s32 @!p0 $0x4, s10  }
0x37: {  	p1 =	seq.s32 @!p0 s16, $0x0;
	s18 =	sshll.u32 @!p0 s4, $0x7;
	s4 =	sshll.u32 @!p0 s4, $0xC  }
0x38: {  	p1 =	por p0, !p1;
	s18 =	sand.u32 @!p0 $0x200, s18;
	s4 =	sand.u32 @!p0 $0x1F8000, s4  }
.Ltmp2:
0x39: {  	s4 =	sor.u32 @!p0 s4, s18;
	(pc) =	sbr.rel @!p1 .LBB2_3-.Ltmp2, $4  }
0x3a: {  	_ =	swait.ge [sflag:s22], $0x2000;
	s4 =	sor.u32 @!p0 s6, s4  }
0x3b: {  	[sflag:s22] =	ssyncset.done $0x0;
	s4 =	sshrl.u32 @!p0 s4, $0x3  }
0x3c: {  	[sflag:s22] =	ssyncadd.s32 $0xFFFFE000;
	s18 =	simm.s32 @!p0 $0x0;
	s4 =	sadd.s32 @!p0 s1, s4  }
0x3d: {  	[tilespmem:s18], [sflag:$0x1] =	stream.linear.gather @!p0 [hbm4b:s4+s18], $0x80, $0x38;
	[tilespmem:$0x8200] =	vst v63  }
.Ltmp3:
0x3e: {  	(pc) =	sbr.rel .LBB2_5-.Ltmp3, $4  }
0x3f: {  	_ = 	snop  }
0x40: {  	_ =	swait.ge [sflag:s9], $0x2000  }
0x41: {  	[sflag:s9] =	ssyncset.done $0x0  }
0x42: {  	p1 =	por $0x0, $0x0;
	[sflag:s9] =	ssyncadd.s32 $0xFFFFE000  }
.LBB2_3:
0x43: {  	p1 =	por @!p0 $0x1, $0x1  }
.LBB2_5:
0x44: {  	s4 =	simm.s32 $0x280  }
0x45: {  	v0 =	vld [tilespmem:s4+$0xFFFFFF80]  }
0x46: {  	v1 =	vld [tilespmem:s4+$0xFFFFFF90]  }
0x47: {  	v2 =	vld [tilespmem:s4+$0xFFFFFFA0]  }
0x48: {  	v3 =	vld [tilespmem:s4+$0xFFFFFFB0]  }
0x49: {  	v4 =	vld [tilespmem:s4+$0xFFFFFFC0]  }
0x4a: {  	v5 =	vld [tilespmem:s4+$0xFFFFFFD0];
	v0 =	vmul.f32 $8.000000000e+00, v0  }
0x4b: {  	v6 =	vld [tilespmem:s4+$0xFFFFFFE0];
	v1 =	vmul.f32 $8.000000000e+00, v1  }
0x4c: {  	[tilespmem:s4+$0xFFFFFF80] =	vst v0;
	v0 =	vmul.f32 $8.000000000e+00, v2;
	v2 =	vld [tilespmem:s4+$0x0]  }
0x4d: {  	[tilespmem:s4+$0xFFFFFF90] =	vst v1;
	v1 =	vmul.f32 $8.000000000e+00, v3;
	v3 =	vld [tilespmem:s4+$0x10]  }
0x4e: {  	[tilespmem:s4+$0xFFFFFFA0] =	vst v0;
	v0 =	vmul.f32 $8.000000000e+00, v4;
	v4 =	vld [tilespmem:s4+$0x20]  }
0x4f: {  	v7 =	vld [tilespmem:s4+$0x30];
	[tilespmem:s4+$0xFFFFFFB0] =	vst v1;
	v1 =	vmul.f32 $8.000000000e+00, v5  }
0x50: {  	v5 =	vmul.f32 $8.000000000e+00, v6;
	[tilespmem:s4+$0xFFFFFFC0] =	vst v0;
	v0 =	vld [tilespmem:s4+$0x40]  }
0x51: {  	[tilespmem:s4+$0xFFFFFFD0] =	vst v1;
	v1 =	vmul.f32 $8.000000000e+00, v2;
	v2 =	vld [tilespmem:s4+$0x50]  }
0x52: {  	[tilespmem:s4+$0xFFFFFFE0] =	vst v5;
	v6 =	vmul.f32 $8.000000000e+00, v3;
	v3 =	vld [tilespmem:s4+$0x60]  }
0x53: {  	[tilespmem:s4+$0x0] =	vst v1;
	v5 =	vmul.f32 $8.000000000e+00, v4;
	v4 =	vld [tilespmem:s4+$0x70]  }
0x54: {  	s18 =	simm.s32 $0x0;
	s19 =	simm.s32 $0x380;
	v1 =	vld [tilespmem:s4+$0xFFFFFFF0];
	[tilespmem:s4+$0x10] =	vst v6;
	v6 =	vmul.f32 $8.000000000e+00, v7  }
.LBB2_6:
0x55: {  	v7 =	vld [tilespmem:s19+$0xFFFFFF80];
	[tilespmem:s4+$0x20] =	vst v5;
	v0 =	vmul.f32 $8.000000000e+00, v0  }
0x56: {  	v5 =	vld [tilespmem:s19+$0xFFFFFF90];
	[tilespmem:s4+$0x30] =	vst v6;
	v2 =	vmul.f32 $8.000000000e+00, v2  }
0x57: {  	v6 =	vld [tilespmem:s19+$0xFFFFFFA0];
	[tilespmem:s4+$0x40] =	vst v0;
	v0 =	vmul.f32 $8.000000000e+00, v3  }
0x58: {  	v3 =	vld [tilespmem:s19+$0xFFFFFFB0];
	[tilespmem:s4+$0x50] =	vst v2;
	v2 =	vmul.f32 $8.000000000e+00, v4  }
0x59: {  	v4 =	vld [tilespmem:s19+$0xFFFFFFC0];
	v1 =	vmul.f32 $8.000000000e+00, v1;
	[tilespmem:s4+$0x60] =	vst v0  }
0x5a: {  	v0 =	vmul.f32 $8.000000000e+00, v7;
	v7 =	vld [tilespmem:s19+$0xFFFFFFD0];
	[tilespmem:s4+$0x70] =	vst v2  }
0x5b: {  	v2 =	vmul.f32 $8.000000000e+00, v5;
	v5 =	vld [tilespmem:s19+$0xFFFFFFE0];
	[tilespmem:s4+$0xFFFFFFF0] =	vst v1;
	s4 =	smov.u32 s19  }
0x5c: {  	[tilespmem:s19+$0xFFFFFF80] =	vst v0;
	v0 =	vmul.f32 $8.000000000e+00, v6;
	v1 =	vld [tilespmem:s19+$0x0]  }
0x5d: {  	[tilespmem:s19+$0xFFFFFF90] =	vst v2;
	v2 =	vmul.f32 $8.000000000e+00, v3;
	v3 =	vld [tilespmem:s19+$0x10]  }
0x5e: {  	s18 =	sadd.s32 $0x4, s18;
	[tilespmem:s19+$0xFFFFFFA0] =	vst v0;
	v0 =	vmul.f32 $8.000000000e+00, v4;
	v4 =	vld [tilespmem:s19+$0x20]  }
0x5f: {  	p2 =	slt.u32 s18, $0x7C;
	[tilespmem:s19+$0xFFFFFFB0] =	vst v2;
	v2 =	vmul.f32 $8.000000000e+00, v7;
	v6 =	vld [tilespmem:s19+$0x30]  }
.Ltmp4:
0x60: {  	[tilespmem:s19+$0xFFFFFFC0] =	vst v0;
	v5 =	vmul.f32 $8.000000000e+00, v5;
	v0 =	vld [tilespmem:s19+$0x40];
	(pc) =	sbr.rel @p2 .LBB2_6-.Ltmp4, $4  }
0x61: {  	[tilespmem:s19+$0xFFFFFFD0] =	vst v2;
	v1 =	vmul.f32 $8.000000000e+00, v1;
	v2 =	vld [tilespmem:s19+$0x50]  }
0x62: {  	[tilespmem:s19+$0xFFFFFFE0] =	vst v5;
	v7 =	vmul.f32 $8.000000000e+00, v3;
	v3 =	vld [tilespmem:s19+$0x60]  }
0x63: {  	[tilespmem:s19+$0x0] =	vst v1;
	v5 =	vmul.f32 $8.000000000e+00, v4;
	v4 =	vld [tilespmem:s19+$0x70]  }
0x64: {  	s19 =	sadd.s32 $0x100, s19;
	v1 =	vld [tilespmem:s4+$0xFFFFFFF0];
	[tilespmem:s4+$0x10] =	vst v7;
	v6 =	vmul.f32 $8.000000000e+00, v6  }
0x65: {  	[tilespmem:s4+$0x20] =	vst v5;
	v0 =	vmul.f32 $8.000000000e+00, v0  }
0x66: {  	[tilespmem:s4+$0x30] =	vst v6;
	v2 =	vmul.f32 $8.000000000e+00, v2  }
0x67: {  	[tilespmem:s4+$0x40] =	vst v0;
	v0 =	vmul.f32 $8.000000000e+00, v3  }
0x68: {  	s18 =	sshll.u32 s16, $0x8;
	[tilespmem:s4+$0x50] =	vst v2;
	v2 =	vmul.f32 $8.000000000e+00, v4  }
0x69: {  	s19 =	sor.u32 s8, s18;
	v1 =	vmul.f32 $8.000000000e+00, v1;
	[tilespmem:s4+$0x60] =	vst v0  }
0x6a: {  	s19 =	sshrl.u32 s19, $0x3;
	[tilespmem:s4+$0x70] =	vst v2  }
0x6b: {  	s20 =	simm.s32 $0x200;
	s19 =	sadd.s32 s3, s19;
	[tilespmem:s4+$0xFFFFFFF0] =	vst v1;
	s4 =	sadd.s32 @!p0 $0x5, s10  }
0x6c: {  	[hbm4b:s19+s23] =	stream.strided.scatter [tilespmem:s20], [sflag:$0x9], $0x2000, s24, s23, $0x38;
	[tilespmem:$0x8200] =	vst v63  }
0x6d: {  	s19 =	sshll.u32 @!p0 s4, $0x7;
	s4 =	sshll.u32 @!p0 s4, $0xC;
	_ =	swait.ge [sflag:s25], $0x80  }
0x6e: {  	s19 =	sand.u32 @!p0 $0x280, s19;
	s4 =	sand.u32 @!p0 $0x1F8000, s4;
	[sflag:s25] =	ssyncset.done $0x0  }
0x6f: {  	s20 =	simm.s32 $0x100;
	s4 =	sor.u32 @!p0 s4, s19;
	[sflag:s25] =	ssyncadd.s32 $0xFFFFFF80  }
0x70: {  	[tilespmem:s26], [sflag:$0x7] =	stream.indirect.gather [hbm4b:s5+s17], $0x40, s20, s17, $0xb8;
	[tilespmem:$0x8200] =	vst v63  }
0x71: {  	s4 =	sor.u32 @!p0 s6, s4;
	_ =	swait.ge [sflag:s28], $0x2000  }
0x72: {  	s19 =	simm.s32 @!p0 $0x0;
	s4 =	sshrl.u32 @!p0 s4, $0x3;
	[sflag:s28] =	ssyncset.done $0x0  }
0x73: {  	s20 =	simm.s32 @!p0 $0x80;
	s4 =	sadd.s32 @!p0 s1, s4;
	[sflag:s28] =	ssyncadd.s32 $0xFFFFE000  }
0x74: {  	[tilespmem:s20], [sflag:$0x2] =	stream.linear.gather @!p0 [hbm4b:s4+s19], $0x80, $0x38;
	[tilespmem:$0x8200] =	vst v63  }
0x75: {  	s4 =	simm.s32 @!p1 $0xA  }
0x76: {  	_ =	swait.ge @!p1 [sflag:s4], $0x2000  }
0x77: {  	[sflag:s4] =	ssyncset.done @!p1 $0x0  }
0x78: {  	[sflag:s4] =	ssyncadd.s32 @!p1 $0xFFFFE000;
	s4 =	simm.s32 $0x2280  }
0x79: {  	v0 =	vld [tilespmem:s4+$0xFFFFFF80]  }
0x7a: {  	v1 =	vld [tilespmem:s4+$0xFFFFFF90]  }
0x7b: {  	v2 =	vld [tilespmem:s4+$0xFFFFFFA0]  }
0x7c: {  	v3 =	vld [tilespmem:s4+$0xFFFFFFB0]  }
0x7d: {  	v4 =	vld [tilespmem:s4+$0xFFFFFFC0]  }
0x7e: {  	v5 =	vld [tilespmem:s4+$0xFFFFFFD0];
	v0 =	vmul.f32 $8.000000000e+00, v0  }
0x7f: {  	v6 =	vld [tilespmem:s4+$0xFFFFFFE0];
	v1 =	vmul.f32 $8.000000000e+00, v1  }
0x80: {  	[tilespmem:s4+$0xFFFFFF80] =	vst v0;
	v0 =	vmul.f32 $8.000000000e+00, v2;
	v2 =	vld [tilespmem:s4+$0x0]  }
0x81: {  	[tilespmem:s4+$0xFFFFFF90] =	vst v1;
	v1 =	vmul.f32 $8.000000000e+00, v3;
	v3 =	vld [tilespmem:s4+$0x10]  }
0x82: {  	[tilespmem:s4+$0xFFFFFFA0] =	vst v0;
	v0 =	vmul.f32 $8.000000000e+00, v4;
	v4 =	vld [tilespmem:s4+$0x20]  }
0x83: {  	v7 =	vld [tilespmem:s4+$0x30];
	[tilespmem:s4+$0xFFFFFFB0] =	vst v1;
	v1 =	vmul.f32 $8.000000000e+00, v5  }
0x84: {  	v5 =	vmul.f32 $8.000000000e+00, v6;
	[tilespmem:s4+$0xFFFFFFC0] =	vst v0;
	v0 =	vld [tilespmem:s4+$0x40]  }
0x85: {  	[tilespmem:s4+$0xFFFFFFD0] =	vst v1;
	v1 =	vld [tilespmem:s4+$0x50];
	v2 =	vmul.f32 $8.000000000e+00, v2  }
0x86: {  	[tilespmem:s4+$0xFFFFFFE0] =	vst v5;
	v6 =	vmul.f32 $8.000000000e+00, v3;
	v3 =	vld [tilespmem:s4+$0x60]  }
0x87: {  	[tilespmem:s4+$0x0] =	vst v2;
	v5 =	vmul.f32 $8.000000000e+00, v4;
	v4 =	vld [tilespmem:s4+$0x70]  }
0x88: {  	s19 =	simm.s32 $0x0;
	s20 =	simm.s32 $0x2380;
	v2 =	vld [tilespmem:s4+$0xFFFFFFF0];
	[tilespmem:s4+$0x10] =	vst v6;
	v6 =	vmul.f32 $8.000000000e+00, v7  }
.LBB2_8:
0x89: {  	v7 =	vld [tilespmem:s20+$0xFFFFFF80];
	[tilespmem:s4+$0x20] =	vst v5;
	v0 =	vmul.f32 $8.000000000e+00, v0  }
0x8a: {  	v5 =	vld [tilespmem:s20+$0xFFFFFF90];
	[tilespmem:s4+$0x30] =	vst v6;
	v1 =	vmul.f32 $8.000000000e+00, v1  }
0x8b: {  	v6 =	vld [tilespmem:s20+$0xFFFFFFA0];
	[tilespmem:s4+$0x40] =	vst v0;
	v0 =	vmul.f32 $8.000000000e+00, v3  }
0x8c: {  	v3 =	vld [tilespmem:s20+$0xFFFFFFB0];
	[tilespmem:s4+$0x50] =	vst v1;
	v1 =	vmul.f32 $8.000000000e+00, v4  }
0x8d: {  	v4 =	vld [tilespmem:s20+$0xFFFFFFC0];
	v2 =	vmul.f32 $8.000000000e+00, v2;
	[tilespmem:s4+$0x60] =	vst v0  }
0x8e: {  	v0 =	vmul.f32 $8.000000000e+00, v7;
	v7 =	vld [tilespmem:s20+$0xFFFFFFD0];
	[tilespmem:s4+$0x70] =	vst v1  }
0x8f: {  	v1 =	vmul.f32 $8.000000000e+00, v5;
	v5 =	vld [tilespmem:s20+$0xFFFFFFE0];
	[tilespmem:s4+$0xFFFFFFF0] =	vst v2;
	s4 =	smov.u32 s20  }
0x90: {  	[tilespmem:s20+$0xFFFFFF80] =	vst v0;
	v0 =	vmul.f32 $8.000000000e+00, v6;
	v2 =	vld [tilespmem:s20+$0x0]  }
0x91: {  	[tilespmem:s20+$0xFFFFFF90] =	vst v1;
	v1 =	vmul.f32 $8.000000000e+00, v3;
	v3 =	vld [tilespmem:s20+$0x10]  }
0x92: {  	s19 =	sadd.s32 $0x4, s19;
	[tilespmem:s20+$0xFFFFFFA0] =	vst v0;
	v0 =	vmul.f32 $8.000000000e+00, v4;
	v4 =	vld [tilespmem:s20+$0x20]  }
0x93: {  	p2 =	slt.u32 s19, $0x7C;
	[tilespmem:s20+$0xFFFFFFB0] =	vst v1;
	v1 =	vmul.f32 $8.000000000e+00, v7;
	v6 =	vld [tilespmem:s20+$0x30]  }
.Ltmp5:
0x94: {  	[tilespmem:s20+$0xFFFFFFC0] =	vst v0;
	v5 =	vmul.f32 $8.000000000e+00, v5;
	v0 =	vld [tilespmem:s20+$0x40];
	(pc) =	sbr.rel @p2 .LBB2_8-.Ltmp5, $4  }
0x95: {  	[tilespmem:s20+$0xFFFFFFD0] =	vst v1;
	v2 =	vmul.f32 $8.000000000e+00, v2;
	v1 =	vld [tilespmem:s20+$0x50]  }
0x96: {  	[tilespmem:s20+$0xFFFFFFE0] =	vst v5;
	v7 =	vmul.f32 $8.000000000e+00, v3;
	v3 =	vld [tilespmem:s20+$0x60]  }
0x97: {  	[tilespmem:s20+$0x0] =	vst v2;
	v5 =	vmul.f32 $8.000000000e+00, v4;
	v4 =	vld [tilespmem:s20+$0x70]  }
0x98: {  	s20 =	sadd.s32 $0x100, s20;
	v2 =	vld [tilespmem:s4+$0xFFFFFFF0];
	[tilespmem:s4+$0x10] =	vst v7;
	v6 =	vmul.f32 $8.000000000e+00, v6  }
0x99: {  	[tilespmem:s4+$0x20] =	vst v5;
	v0 =	vmul.f32 $8.000000000e+00, v0  }
0x9a: {  	[tilespmem:s4+$0x30] =	vst v6;
	v1 =	vmul.f32 $8.000000000e+00, v1  }
0x9b: {  	[tilespmem:s4+$0x40] =	vst v0;
	v0 =	vmul.f32 $8.000000000e+00, v3  }
0x9c: {  	[tilespmem:s4+$0x50] =	vst v1;
	v1 =	vmul.f32 $8.000000000e+00, v4  }
0x9d: {  	s19 =	sor.u32 s12, s18;
	v2 =	vmul.f32 $8.000000000e+00, v2;
	[tilespmem:s4+$0x60] =	vst v0  }
0x9e: {  	s19 =	sshrl.u32 s19, $0x3;
	[tilespmem:s4+$0x70] =	vst v1  }
0x9f: {  	s19 =	sadd.s32 s3, s19;
	[tilespmem:s4+$0xFFFFFFF0] =	vst v2;
	s4 =	sadd.s32 @!p0 $0x6, s10  }
0xa0: {  	[hbm4b:s19+s23] =	stream.strided.scatter [tilespmem:s21], [sflag:$0xA], $0x2000, s24, s23, $0x38;
	[tilespmem:$0x8200] =	vst v63  }
0xa1: {  	s19 =	sshll.u32 @!p0 s4, $0x7;
	s4 =	sshll.u32 @!p0 s4, $0xC;
	_ =	swait.ge [sflag:s29], $0x80  }
0xa2: {  	s19 =	sand.u32 @!p0 $0x300, s19;
	s4 =	sand.u32 @!p0 $0x1F8000, s4;
	[sflag:s29] =	ssyncset.done $0x0  }
0xa3: {  	s20 =	simm.s32 $0x180;
	s4 =	sor.u32 @!p0 s4, s19;
	[sflag:s29] =	ssyncadd.s32 $0xFFFFFF80  }
0xa4: {  	[tilespmem:s30], [sflag:$0x8] =	stream.indirect.gather [hbm4b:s5+s17], $0x40, s20, s17, $0xb8;
	[tilespmem:$0x8200] =	vst v63  }
0xa5: {  	p2 =	por p0, !p1;
	s4 =	sor.u32 @!p0 s6, s4;
	_ =	swait.ge [sflag:s31], $0x2000  }
0xa6: {  	s19 =	simm.s32 @!p0 $0x0;
	s4 =	sshrl.u32 @!p0 s4, $0x3;
	[sflag:s31] =	ssyncset.done $0x0  }
0xa7: {  	s20 =	simm.s32 @!p0 $0x100;
	s4 =	sadd.s32 @!p0 s1, s4;
	[sflag:s31] =	ssyncadd.s32 $0xFFFFE000  }
0xa8: {  	[tilespmem:s20], [sflag:$0x3] =	stream.linear.gather @!p0 [hbm4b:s4+s19], $0x80, $0x38;
	[tilespmem:$0x8200] =	vst v63  }
0xa9: {  	_ =	swait.ge @p2 [sflag:s11], $0x2000  }
0xaa: {  	[sflag:s11] =	ssyncset.done @p2 $0x0  }
0xab: {  	s4 =	simm.s32 $0x4280;
	[sflag:s11] =	ssyncadd.s32 @p2 $0xFFFFE000  }
0xac: {  	v0 =	vld [tilespmem:s4+$0xFFFFFF80]  }
0xad: {  	v1 =	vld [tilespmem:s4+$0xFFFFFF90]  }
0xae: {  	v2 =	vld [tilespmem:s4+$0xFFFFFFA0]  }
0xaf: {  	v3 =	vld [tilespmem:s4+$0xFFFFFFB0]  }
0xb0: {  	v4 =	vld [tilespmem:s4+$0xFFFFFFC0]  }
0xb1: {  	v5 =	vld [tilespmem:s4+$0xFFFFFFD0];
	v0 =	vmul.f32 $8.000000000e+00, v0  }
0xb2: {  	v6 =	vld [tilespmem:s4+$0xFFFFFFE0];
	v1 =	vmul.f32 $8.000000000e+00, v1  }
0xb3: {  	[tilespmem:s4+$0xFFFFFF80] =	vst v0;
	v0 =	vmul.f32 $8.000000000e+00, v2;
	v2 =	vld [tilespmem:s4+$0x0]  }
0xb4: {  	[tilespmem:s4+$0xFFFFFF90] =	vst v1;
	v1 =	vmul.f32 $8.000000000e+00, v3;
	v3 =	vld [tilespmem:s4+$0x10]  }
0xb5: {  	[tilespmem:s4+$0xFFFFFFA0] =	vst v0;
	v0 =	vmul.f32 $8.000000000e+00, v4;
	v4 =	vld [tilespmem:s4+$0x20]  }
0xb6: {  	v7 =	vld [tilespmem:s4+$0x30];
	[tilespmem:s4+$0xFFFFFFB0] =	vst v1;
	v1 =	vmul.f32 $8.000000000e+00, v5  }
0xb7: {  	v5 =	vmul.f32 $8.000000000e+00, v6;
	[tilespmem:s4+$0xFFFFFFC0] =	vst v0;
	v0 =	vld [tilespmem:s4+$0x40]  }
0xb8: {  	[tilespmem:s4+$0xFFFFFFD0] =	vst v1;
	v1 =	vld [tilespmem:s4+$0x50];
	v2 =	vmul.f32 $8.000000000e+00, v2  }
0xb9: {  	[tilespmem:s4+$0xFFFFFFE0] =	vst v5;
	v6 =	vmul.f32 $8.000000000e+00, v3;
	v3 =	vld [tilespmem:s4+$0x60]  }
0xba: {  	[tilespmem:s4+$0x0] =	vst v2;
	v5 =	vmul.f32 $8.000000000e+00, v4;
	v4 =	vld [tilespmem:s4+$0x70]  }
0xbb: {  	s19 =	simm.s32 $0x0;
	s20 =	simm.s32 $0x4380;
	v2 =	vld [tilespmem:s4+$0xFFFFFFF0];
	[tilespmem:s4+$0x10] =	vst v6;
	v6 =	vmul.f32 $8.000000000e+00, v7  }
.LBB2_10:
0xbc: {  	v7 =	vld [tilespmem:s20+$0xFFFFFF80];
	[tilespmem:s4+$0x20] =	vst v5;
	v0 =	vmul.f32 $8.000000000e+00, v0  }
0xbd: {  	v5 =	vld [tilespmem:s20+$0xFFFFFF90];
	[tilespmem:s4+$0x30] =	vst v6;
	v1 =	vmul.f32 $8.000000000e+00, v1  }
0xbe: {  	v6 =	vld [tilespmem:s20+$0xFFFFFFA0];
	[tilespmem:s4+$0x40] =	vst v0;
	v0 =	vmul.f32 $8.000000000e+00, v3  }
0xbf: {  	v3 =	vld [tilespmem:s20+$0xFFFFFFB0];
	[tilespmem:s4+$0x50] =	vst v1;
	v1 =	vmul.f32 $8.000000000e+00, v4  }
0xc0: {  	v4 =	vld [tilespmem:s20+$0xFFFFFFC0];
	v2 =	vmul.f32 $8.000000000e+00, v2;
	[tilespmem:s4+$0x60] =	vst v0  }
0xc1: {  	v0 =	vmul.f32 $8.000000000e+00, v7;
	v7 =	vld [tilespmem:s20+$0xFFFFFFD0];
	[tilespmem:s4+$0x70] =	vst v1  }
0xc2: {  	v1 =	vmul.f32 $8.000000000e+00, v5;
	v5 =	vld [tilespmem:s20+$0xFFFFFFE0];
	[tilespmem:s4+$0xFFFFFFF0] =	vst v2;
	s4 =	smov.u32 s20  }
0xc3: {  	[tilespmem:s20+$0xFFFFFF80] =	vst v0;
	v0 =	vmul.f32 $8.000000000e+00, v6;
	v2 =	vld [tilespmem:s20+$0x0]  }
0xc4: {  	[tilespmem:s20+$0xFFFFFF90] =	vst v1;
	v1 =	vmul.f32 $8.000000000e+00, v3;
	v3 =	vld [tilespmem:s20+$0x10]  }
0xc5: {  	s19 =	sadd.s32 $0x4, s19;
	[tilespmem:s20+$0xFFFFFFA0] =	vst v0;
	v0 =	vmul.f32 $8.000000000e+00, v4;
	v4 =	vld [tilespmem:s20+$0x20]  }
0xc6: {  	p2 =	slt.u32 s19, $0x7C;
	[tilespmem:s20+$0xFFFFFFB0] =	vst v1;
	v1 =	vmul.f32 $8.000000000e+00, v7;
	v6 =	vld [tilespmem:s20+$0x30]  }
.Ltmp6:
0xc7: {  	[tilespmem:s20+$0xFFFFFFC0] =	vst v0;
	v5 =	vmul.f32 $8.000000000e+00, v5;
	v0 =	vld [tilespmem:s20+$0x40];
	(pc) =	sbr.rel @p2 .LBB2_10-.Ltmp6, $4  }
0xc8: {  	[tilespmem:s20+$0xFFFFFFD0] =	vst v1;
	v2 =	vmul.f32 $8.000000000e+00, v2;
	v1 =	vld [tilespmem:s20+$0x50]  }
0xc9: {  	[tilespmem:s20+$0xFFFFFFE0] =	vst v5;
	v7 =	vmul.f32 $8.000000000e+00, v3;
	v3 =	vld [tilespmem:s20+$0x60]  }
0xca: {  	[tilespmem:s20+$0x0] =	vst v2;
	v5 =	vmul.f32 $8.000000000e+00, v4;
	v4 =	vld [tilespmem:s20+$0x70]  }
0xcb: {  	s20 =	sadd.s32 $0x100, s20;
	v2 =	vld [tilespmem:s4+$0xFFFFFFF0];
	[tilespmem:s4+$0x10] =	vst v7;
	v6 =	vmul.f32 $8.000000000e+00, v6  }
0xcc: {  	[tilespmem:s4+$0x20] =	vst v5;
	v0 =	vmul.f32 $8.000000000e+00, v0  }
0xcd: {  	[tilespmem:s4+$0x30] =	vst v6;
	v1 =	vmul.f32 $8.000000000e+00, v1  }
0xce: {  	p2 =	sne.s32 s16, $0x31;
	[tilespmem:s4+$0x40] =	vst v0;
	v62 =	vmul.f32 $8.000000000e+00, v3  }
.Ltmp7:
0xcf: {  	[tilespmem:s4+$0x50] =	vst v1;
	v63 =	vmul.f32 $8.000000000e+00, v4;
	(pc) =	sbr.rel @p2 .LBB2_13-.Ltmp7, $4  }
0xd0: {  	s19 =	sor.u32 s13, s18;
	v2 =	vmul.f32 $8.000000000e+00, v2;
	[tilespmem:s4+$0x60] =	vst v62  }
0xd1: {  	s19 =	sshrl.u32 s19, $0x3;
	[tilespmem:s4+$0x70] =	vst v63  }
0xd2: {  	s20 =	sadd.s32 s3, s19;
	[tilespmem:s4+$0xFFFFFFF0] =	vst v2  }
0xd3: {  	[hbm4b:s20+s23] =	stream.strided.scatter [tilespmem:s26], [sflag:$0xB], $0x2000, s24, s23, $0x38;
	[tilespmem:$0x8200] =	vst v63  }
.Ltmp8:
0xd4: {  	(pc) =	sbr.rel .LBB2_14-.Ltmp8, $4  }
0xd5: {  	_ = 	snop  }
0xd6: {  	_ =	swait.ge [sflag:s0], $0x2000  }
0xd7: {  	[sflag:s0] =	ssyncset.done $0x0  }
0xd8: {  	[sflag:s0] =	ssyncadd.s32 $0xFFFFE000  }
.LBB2_13:
0xd9: {  	_ =	swait.ge [sflag:s7], $0x80  }
0xda: {  	s19 =	simm.s32 $0x0;
	[sflag:s7] =	ssyncset.done $0x0  }
0xdb: {  	s4 =	simm.s32 $0x200;
	s20 =	sadd.s32 $0x7, s10;
	[sflag:s7] =	ssyncadd.s32 $0xFFFFFF80  }
0xdc: {  	[tilespmem:s4], [sflag:$0x5] =	stream.indirect.gather [hbm4b:s5+s17], $0x40, s19, s17, $0xb8;
	[tilespmem:$0x8200] =	vst v63  }
0xdd: {  	s10 =	sshll.u32 s20, $0x7;
	s4 =	sshll.u32 s20, $0xC  }
0xde: {  	s10 =	sand.u32 $0x380, s10;
	s4 =	sand.u32 $0x1F8000, s4  }
.Ltmp9:
0xdf: {  	s4 =	sor.u32 s4, s10;
	(pc) =	sbr.rel @p1 .LBB2_15-.Ltmp9, $4  }
0xe0: {  	_ =	swait.ge [sflag:s0], $0x2000;
	s4 =	sor.u32 s6, s4  }
0xe1: {  	[sflag:s0] =	ssyncset.done $0x0;
	s4 =	sshrl.u32 s4, $0x3  }
0xe2: {  	s20 =	simm.s32 $0x180;
	[sflag:s0] =	ssyncadd.s32 $0xFFFFE000;
	s4 =	sadd.s32 s1, s4  }
0xe3: {  	[tilespmem:s20], [sflag:$0x4] =	stream.linear.gather [hbm4b:s4+s19], $0x80, $0x38;
	[tilespmem:$0x8200] =	vst v63  }
.LBB2_14:
0xe4: {  	_ =	swait.ge [sflag:s2], $0x2000  }
0xe5: {  	[sflag:s2] =	ssyncset.done $0x0  }
0xe6: {  	[sflag:s2] =	ssyncadd.s32 $0xFFFFE000  }
.LBB2_15:
0xe7: {  	s4 =	simm.s32 $0x6280  }
0xe8: {  	v0 =	vld [tilespmem:s4+$0xFFFFFF80]  }
0xe9: {  	v1 =	vld [tilespmem:s4+$0xFFFFFF90]  }
0xea: {  	v2 =	vld [tilespmem:s4+$0xFFFFFFA0]  }
0xeb: {  	v3 =	vld [tilespmem:s4+$0xFFFFFFB0]  }
0xec: {  	v4 =	vld [tilespmem:s4+$0xFFFFFFC0]  }
0xed: {  	v5 =	vld [tilespmem:s4+$0xFFFFFFD0];
	v0 =	vmul.f32 $8.000000000e+00, v0  }
0xee: {  	v6 =	vld [tilespmem:s4+$0xFFFFFFE0];
	v1 =	vmul.f32 $8.000000000e+00, v1  }
0xef: {  	[tilespmem:s4+$0xFFFFFF80] =	vst v0;
	v0 =	vmul.f32 $8.000000000e+00, v2;
	v2 =	vld [tilespmem:s4+$0x0]  }
0xf0: {  	[tilespmem:s4+$0xFFFFFF90] =	vst v1;
	v1 =	vmul.f32 $8.000000000e+00, v3;
	v3 =	vld [tilespmem:s4+$0x10]  }
0xf1: {  	[tilespmem:s4+$0xFFFFFFA0] =	vst v0;
	v0 =	vmul.f32 $8.000000000e+00, v4;
	v4 =	vld [tilespmem:s4+$0x20]  }
0xf2: {  	v7 =	vld [tilespmem:s4+$0x30];
	[tilespmem:s4+$0xFFFFFFB0] =	vst v1;
	v1 =	vmul.f32 $8.000000000e+00, v5  }
0xf3: {  	v5 =	vmul.f32 $8.000000000e+00, v6;
	[tilespmem:s4+$0xFFFFFFC0] =	vst v0;
	v0 =	vld [tilespmem:s4+$0x40]  }
0xf4: {  	[tilespmem:s4+$0xFFFFFFD0] =	vst v1;
	v1 =	vld [tilespmem:s4+$0x50];
	v2 =	vmul.f32 $8.000000000e+00, v2  }
0xf5: {  	[tilespmem:s4+$0xFFFFFFE0] =	vst v5;
	v6 =	vmul.f32 $8.000000000e+00, v3;
	v3 =	vld [tilespmem:s4+$0x60]  }
0xf6: {  	[tilespmem:s4+$0x0] =	vst v2;
	v5 =	vmul.f32 $8.000000000e+00, v4;
	v4 =	vld [tilespmem:s4+$0x70]  }
0xf7: {  	s10 =	simm.s32 $0x0;
	s19 =	simm.s32 $0x6380;
	v2 =	vld [tilespmem:s4+$0xFFFFFFF0];
	[tilespmem:s4+$0x10] =	vst v6;
	v6 =	vmul.f32 $8.000000000e+00, v7  }
.LBB2_16:
0xf8: {  	v7 =	vld [tilespmem:s19+$0xFFFFFF80];
	[tilespmem:s4+$0x20] =	vst v5;
	v0 =	vmul.f32 $8.000000000e+00, v0  }
0xf9: {  	v5 =	vld [tilespmem:s19+$0xFFFFFF90];
	[tilespmem:s4+$0x30] =	vst v6;
	v1 =	vmul.f32 $8.000000000e+00, v1  }
0xfa: {  	v6 =	vld [tilespmem:s19+$0xFFFFFFA0];
	[tilespmem:s4+$0x40] =	vst v0;
	v0 =	vmul.f32 $8.000000000e+00, v3  }
0xfb: {  	v3 =	vld [tilespmem:s19+$0xFFFFFFB0];
	[tilespmem:s4+$0x50] =	vst v1;
	v1 =	vmul.f32 $8.000000000e+00, v4  }
0xfc: {  	v4 =	vld [tilespmem:s19+$0xFFFFFFC0];
	v2 =	vmul.f32 $8.000000000e+00, v2;
	[tilespmem:s4+$0x60] =	vst v0  }
0xfd: {  	v0 =	vmul.f32 $8.000000000e+00, v7;
	v7 =	vld [tilespmem:s19+$0xFFFFFFD0];
	[tilespmem:s4+$0x70] =	vst v1  }
0xfe: {  	v1 =	vmul.f32 $8.000000000e+00, v5;
	v5 =	vld [tilespmem:s19+$0xFFFFFFE0];
	[tilespmem:s4+$0xFFFFFFF0] =	vst v2;
	s4 =	smov.u32 s19  }
0xff: {  	[tilespmem:s19+$0xFFFFFF80] =	vst v0;
	v0 =	vmul.f32 $8.000000000e+00, v6;
	v2 =	vld [tilespmem:s19+$0x0]  }
0x100: {  	[tilespmem:s19+$0xFFFFFF90] =	vst v1;
	v1 =	vmul.f32 $8.000000000e+00, v3;
	v3 =	vld [tilespmem:s19+$0x10]  }
0x101: {  	s10 =	sadd.s32 $0x4, s10;
	[tilespmem:s19+$0xFFFFFFA0] =	vst v0;
	v0 =	vmul.f32 $8.000000000e+00, v4;
	v4 =	vld [tilespmem:s19+$0x20]  }
0x102: {  	p1 =	slt.u32 s10, $0x7C;
	[tilespmem:s19+$0xFFFFFFB0] =	vst v1;
	v1 =	vmul.f32 $8.000000000e+00, v7;
	v6 =	vld [tilespmem:s19+$0x30]  }
.Ltmp10:
0x103: {  	[tilespmem:s19+$0xFFFFFFC0] =	vst v0;
	v5 =	vmul.f32 $8.000000000e+00, v5;
	v0 =	vld [tilespmem:s19+$0x40];
	(pc) =	sbr.rel @p1 .LBB2_16-.Ltmp10, $4  }
0x104: {  	[tilespmem:s19+$0xFFFFFFD0] =	vst v1;
	v2 =	vmul.f32 $8.000000000e+00, v2;
	v1 =	vld [tilespmem:s19+$0x50]  }
0x105: {  	[tilespmem:s19+$0xFFFFFFE0] =	vst v5;
	v7 =	vmul.f32 $8.000000000e+00, v3;
	v3 =	vld [tilespmem:s19+$0x60]  }
0x106: {  	[tilespmem:s19+$0x0] =	vst v2;
	v5 =	vmul.f32 $8.000000000e+00, v4;
	v4 =	vld [tilespmem:s19+$0x70]  }
0x107: {  	s19 =	sadd.s32 $0x100, s19;
	v2 =	vld [tilespmem:s4+$0xFFFFFFF0];
	[tilespmem:s4+$0x10] =	vst v7;
	v6 =	vmul.f32 $8.000000000e+00, v6  }
0x108: {  	[tilespmem:s4+$0x20] =	vst v5;
	v0 =	vmul.f32 $8.000000000e+00, v0  }
0x109: {  	[tilespmem:s4+$0x30] =	vst v6;
	v1 =	vmul.f32 $8.000000000e+00, v1  }
0x10a: {  	[tilespmem:s4+$0x40] =	vst v0;
	v62 =	vmul.f32 $8.000000000e+00, v3  }
.Ltmp11:
0x10b: {  	[tilespmem:s4+$0x50] =	vst v1;
	v63 =	vmul.f32 $8.000000000e+00, v4;
	(pc) =	sbr.rel @p0 .LBB2_19-.Ltmp11, $4  }
0x10c: {  	s10 =	sor.u32 s14, s18;
	v2 =	vmul.f32 $8.000000000e+00, v2;
	[tilespmem:s4+$0x60] =	vst v62  }
0x10d: {  	s10 =	sshrl.u32 s10, $0x3;
	[tilespmem:s4+$0x70] =	vst v63  }
0x10e: {  	s20 =	sadd.s32 s3, s10;
	[tilespmem:s4+$0xFFFFFFF0] =	vst v2  }
0x10f: {  	[hbm4b:s20+s23] =	stream.strided.scatter [tilespmem:s30], [sflag:$0xC], $0x2000, s24, s23, $0x38;
	[tilespmem:$0x8200] =	vst v63  }
.Ltmp12:
0x110: {  	(pc) =	sbr.rel .LBB2_2-.Ltmp12, $4  }
0x111: {  	_ =	swait.ge [sflag:s15], $0x80  }
0x112: {  	[sflag:s15] =	ssyncset.done $0x0  }
0x113: {  	s16 =	sadd.s32 $0x1, s16;
	[sflag:s15] =	ssyncadd.s32 $0xFFFFFF80  }
0x114: {  	[tilespmem:s21], [sflag:$0x6] =	stream.indirect.gather [hbm4b:s5+s17], $0x40, s17, s17, $0xb8;
	[tilespmem:$0x8200] =	vst v63  }
.LBB2_20:
0x115: {  	_ =	sfence.sel $0x180000  }
0x116: {  	[bflag:$0x0] =	sbarrier.arrive $0xFFFF  }
0x117: {  	_ =	strace $0x90000047  }
0x118: {  	s0 =	stileid.u32;
	[bflag:$0x2] =	sbarrier.arrive $0xFFFF  }
0x119: {  	p0 =	sne.s32 s0, $0x0;
	s0 =	rddreg [dreg:$0x3]  }
0x11a: {  	s0 =	sadd.s32 @!p0 $0x100000, s0  }
0x11b: {  	[sflag:s0] =	ssyncadd.tile.s32 @!p0 $0x1;
	_ =	shalt  }
.Lfunc_end2:
_tile_overlayer_lowered:
.L_overlay_start_2:
0x11c: {  	(tag) =	ssettag $0x2  }
0x11d: {  	s0 =	rddreg [dreg:$0x0];
	s2 =	stileid.u32  }
0x11e: {  	s1 =	rddreg [dreg:$0x1];
	p0 =	sne.s32 s2, $0x0  }
0x11f: {  	s3 =	rddreg [dreg:$0x2];
	[bflag:$0x3] =	sbarrier.arrive $0xFFFF;
	s2 =	simm.s32 @!p0 $0x1C0D  }
0x120: {  	[timem:s3], [sflag:s2] =	dma.local @!p0 [hbm:s0], s1  }
0x121: {  	s0 =	simm.s32 @!p0 $0xD  }
0x122: {  	_ =	swait.ge @!p0 [sflag:s0], s1  }
0x123: {  	s1 =	ssub.s32 @!p0 $0x0, s1;
	[sflag:s0] =	ssyncset.done @!p0 $0x0  }
0x124: {  	[sflag:s0] =	ssyncadd.s32 @!p0 s1  }
0x125: {  	[bflag:$0x3] =	sbarrier.arrive $0xFFFF  }
0x126: {  	_ =	shalt  }

// kernel: sparse-core-data-format-call.cloned.1.call-start
scs
called_computation_lowered:
.L_overlay_start_0:
0x0: {  	s2 =	sld [smem:$0x3FD9]  }
0x1: {  	s3 =	sld [smem:$0x3FFE];
	_ =	sdelay $0x1  }
0x2: {  	s1 =	srdreg.scid  }
0x3: {  	s0 =	sand.u32 $0x1, s1  }
0x4: {  	s18 =	sshll.u32 s0, $0xA;
	s2 =	sadd.s32 s3, s2  }
0x5: {  	s2 =	sadd.s32 s2, s18  }
0x6: {  	[smem:$0x3FC6] =	sst s2  }
0x7: {  	_ = 	snop  }
0x8: {  	s2 =	sld [smem:$0x3FD0];
	(tm) =	ssettm $0x1  }
0x9: {  	s19 =	sld [smem:$0x3FFB];
	_ =	sdelay $0x3  }
0xa: {  	_ =	strace s19  }
0xb: {  	s3 =	sld [smem:$0x3FFC];
	_ =	sdelay $0x3  }
0xc: {  	_ =	strace s3  }
0xd: {  	s3 =	sld [smem:$0x3FFD];
	_ =	sdelay $0x3  }
0xe: {  	_ =	strace s3  }
0xf: {  	_ =	strace $0x8FFFFFFF  }
0x10: {  	s20 =	sld [smem:$0x3FDB];
	_ =	sdelay $0x1  }
0x11: {  	s4 =	simm.s32 $_scs_section_size  }
0x12: {  	s5 =	simm.s32 $_size__tile_overlayer_lowered;
	s6 =	simm.s32 $_tile_overlayer_lowered  }
0x13: {  	s23 =	simm.s32 $0x1BFF;
	s22 =	sshll.u32 s6, $0x1;
	s3 =	sadd.s32 s4, s20  }
0x14: {  	s7 =	simm.s32 $0x0;
	s21 =	sshll.u32 s5, $0x1;
	s5 =	sadd.s32 s22, s3  }
0x15: {  	[timem:s7], [sflag:s23] =	dma.local [hbm:s5], s21  }
0x16: {  	_ =	swait.ge [sflag:s23], s21  }
0x17: {  	s4 =	ssub.s32 $0x0, s21;
	[sflag:s23] =	ssyncset.done $0x0  }
0x18: {  	[sflag:s23] =	ssyncadd.s32 s4;
	_ =	sdelay $0x1  }
0x19: {  	s24 =	simm.s32 $0x1B8B  }
0x1a: {  	_ =	swait.ge [sflag:s24], $0x1  }
0x1b: {  	[sflag:s24] =	ssyncset.done $0x0  }
0x1c: {  	s26 =	simm.s32 $0x1B8E;
	s25 =	sld [smem:$0x3FFE];
	[sflag:s24] =	ssyncadd.s32 $0xFFFFFFFF  }
0x1d: {  	s27 =	simm.s32 $execute0_lowered;
	[smem:$0x3FD2] =	sst s26  }
0x1e: {  	s5 =	sshll.u32 s27, $0x1;
	_ =	strace $0x80000049;
	[dreg:$0x1] =	wrdreg $0xFFFFFFFF  }
0x1f: {  	s28 =	simm.s32 $_size_execute0_lowered;
	s3 =	sadd.s32 s3, s5;
	[dreg:$0x0] =	wrdreg $0x0  }
0x20: {  	s5 =	sshll.u32 s28, $0x1;
	[dreg:$0x2] =	wrdreg s3  }
0x21: {  	[dreg:$0x3] =	wrdreg s5  }
0x22: {  	[dreg:$0x4] =	wrdreg $0xC0  }
0x23: {  	_ =	task [dreg:s7], $0x5FFFF  }
0x24: {  	[dreg:$0x1] =	wrdreg $0xFFFFFFFF  }
0x25: {  	[dreg:$0x0] =	wrdreg $0x60  }
0x26: {  	[dreg:$0x2] =	wrdreg s25  }
0x27: {  	[dreg:$0x3] =	wrdreg s2  }
0x28: {  	[dreg:$0x4] =	wrdreg $0x9  }
0x29: {  	_ =	task.clear_ibuf [dreg:s7], $0x5FFFF;
	_ =	strace $0x90000049  }
0x2a: {  	s29 =	simm.s32 $0x9;
	_ =	strace $0x8000004B  }
0x2b: {  	_ =	swait.ge [sflag:s29], $0x1  }
0x2c: {  	[sflag:s29] =	ssyncadd.s32 $0xFFFFFFFF  }
0x2d: {  	_ =	strace $0x9000004B  }
0x2e: {  	_ =	sfence  }
0x2f: {  	s30 =	sld [smem:$0x0];
	_ =	sdelay $0x2  }
0x30: {  	s31 =	sshll.u32 s1, $0xD;
	s1 =	sshrl.u32 s1, $0x2  }
0x31: {  	s3 =	sand.u32 $0x4000, s31;
	s1 =	sadd.s32 s1, s30  }
0x32: {  	s0 =	sor.u32 s3, s0;
	s1 =	sshll.u32 s1, $0x11  }
0x33: {  	s0 =	sor.u32 s1, s0  }
0x34: {  	s0 =	sadd.s32 $0x8F2B, s0  }
0x35: {  	[sflag:s0] =	ssyncadd.remote.s32 $0x1  }
0x36: {  	_ =	sfence.sel $0xFFFF  }
0x37: {  	[dreg:$0x0] =	wrdreg $0xFFFFFFFF;
	(pc) =	sbr.abs _section_cstart, $3  }
0x38: {  	[dreg:$0x1] =	wrdreg $0xFFFFFFFF  }
0x39: {  	_ =	task.clear_ibuf [dreg:s7], $0x2FFFF;
	_ =	strace $0x9FFFFFFF  }
0x3a: {  	(tm) =	ssettm $0x7FFFFFFF  }
0x3b: {  	_ =	shalt  }
tec
execute0_lowered:
.L_overlay_start_1:
0x0: {  	(tag) =	ssettag $0x1  }
0x1: {  	s0 =	srdreg.scid  }
0x2: {  	s1 =	sshll.u32 s0, $0x4  }
0x3: {  	s0 =	stileid.u32;
	s1 =	sand.u32 $0x10, s1  }
0x4: {  	s1 =	sor.u32 s0, s1  }
0x5: {  	s6 =	rddreg [dreg:$0x0];
	s4 =	simm.s32 $0x1;
	s2 =	sshll.u32 s1, $0x7  }
0x6: {  	s7 =	simm.s32 $0x2;
	s12 =	simm.s32 $0x0;
	s1 =	ssub.s32 $0x1000, s2  }
0x7: {  	s8 =	simm.s32 $0x8000;
	s13 =	simm.s32 $0x0;
	s3 =	sand.u32 $0xF80, s1  }
0x8: {  	s9 =	simm.s32 $0x0;
	s5 =	sshrl.u32 s1, $0xC;
	p0 =	sne.s32 s3, $0x0  }
.Ltmp0:
0x9: {  	s1 =	rddreg [dreg:$0x2];
	s4 =	simm.s32 @!p0 $0x0;
	(pc) =	sbr.rel .LBB1_1-.Ltmp0, $4  }
0xa: {  	s11 =	simm.s32 $0x0;
	s3 =	rddreg [dreg:$0x1];
	s5 =	sadd.s32 s4, s5  }
0xb: {  	_ =	strace $0x8000004A;
	s4 =	simm.s32 $0x1;
	s5 =	smul.u32 $0xC8, s5  }
0xc: {  	s6 =	sadd.s32 $0x800, s6;
	s10 =	smov.u32 s2;
	[sflag:s4] =	ssyncpa.u1 $0x0  }
0xd: {  	p0 =	por $0x0, $0x0;
	[sflag:s7] =	ssyncpa.u1 $0x0;
	s7 =	sor.u32 $0x1, s5  }
.LBB1_4:
0xe: {  	s16 =	sshll.u32 s13, $0x3;
	s17 =	sand.u32 $0x78, s13  }
0xf: {  	s30 =	sand.u32 $0x7E00, s13;
	s12 =	sshll.u32 s12, $0xF;
	s16 =	sand.u32 $0xC00, s16  }
0x10: {  	[tilespmem:s15+$0x810 ss:$0x81] =	vst.msk $0xffff, v2;
	s31 =	sand.u32 $0x7, s13;
	s16 =	sor.u32 s17, s16;
	s17 =	sadd.s32 s3, s30  }
0x11: {  	[tilespmem:s15+$0x1020 ss:$0x81] =	vst.msk $0xffff, v0;
	s13 =	sshll.u32 s31, $0x12;
	s12 =	sadd.s32 s12, s17;
	s16 =	sshrl.u32 s16, $0x3  }
0x12: {  	[tilespmem:s15+$0x0 ss:$0x81] =	vst.msk $0xffff, v1;
	s13 =	sor.u32 $0x400, s13;
	s12 =	sadd.s32 s16, s12  }
0x13: {  	[hbm4b:s12+s13] =	stream.strided.scatter [tilespmem:s14], [sflag:$0x2], $0x2000, s8, s13, $0x20;
	[tilespmem:$0x8080] =	vst v63  }
.LBB1_5:
0x14: {  	s14 =	sadd.s32 $0x1, s9  }
0x15: {  	s12 =	sadd.s32 $0x1000, s10;
	s16 =	smov.u32 s10;
	p2 =	sgt.s32 s14, $0xC7  }
0x16: {  	s16 =	smov.u32 @p2 s12  }
0x17: {  	s14 =	simm.s32 @p2 $0x0;
	p2 =	sgt.s32 s16, $0xFFF  }
0x18: {  	s16 =	smov.u32 @p2 s2;
	p2 =	sne.s32 s11, s7  }
.Ltmp1:
0x19: {  	p1 =	slt.u32 s11, $0x2;
	(pc) =	sbr.rel @!p2 .LBB1_6-.Ltmp1, $4  }
0x1a: {  	s15 =	simm.s32 @!p1 $0x2  }
0x1b: {  	s13 =	smov.u32 s10;
	p0 =	por !p0, !p0;
	_ =	swait.ge @!p1 [sflag:s15], $0x2000  }
0x1c: {  	s12 =	smov.u32 s9;
	[sflag:s15] =	ssyncset.done @!p1 $0x0;
	s9 =	smov.u32 s14  }
0x1d: {  	s11 =	sadd.s32 $0x1, s11;
	[sflag:s15] =	ssyncadd.s32 @!p1 $0xFFFFE000;
	s10 =	smov.u32 s16  }
.LBB1_1:
0x1e: {  	p1 =	sge.u32 s11, s5  }
0x1f: {  	s14 =	sand.u32 @!p1 $0x1FFFFFF, s9  }
0x20: {  	s15 =	smulhi.u32 @!p1 $0x147AE15, s14;
	_ =	sdelay $0x1  }
0x21: {  	s15 =	smul.u32 @!p1 $0xC8, s15  }
0x22: {  	s16 =	sxor.u32 @!p1 $0xFFFFFFFF, s11;
	s17 =	smul.u32 @!p1 $0xC80, s10  }
0x23: {  	s31 =	sadd.s32 $0xFFFFFFFF, s11;
	s16 =	sshll.u32 @!p1 s16, $0xD;
	s14 =	ssub.s32 @!p1 s14, s15  }
0x24: {  	s15 =	sand.u32 @!p1 $0x2000, s16;
	s16 =	sadd.s32 @!p1 s6, s17;
	s14 =	sshll.u32 @!p1 s14, $0x4  }
0x25: {  	s17 =	simm.s32 @!p1 $0x6400;
	s14 =	sadd.s32 @!p1 s14, s16;
	s16 =	simm.s32 @!p1 $0x40  }
0x26: {  	[tilespmem:s15], [sflag:$0x1] =	stream.strided.gather @!p1 [hbm4b:s14+s16], $0x2000, s17, s16, $0x38;
	[tilespmem:$0x8080] =	vst v63  }
0x27: {  	p1 =	sge.u32 s31, s5  }
.Ltmp2:
0x28: {  	_ = 	snop;
	(pc) =	sbr.rel @p1 .LBB1_5-.Ltmp2, $1  }
0x29: {  	_ =	sdelay $0x3  }
0x2a: {  	s14 =	simm.s32 $0x1  }
0x2b: {  	_ =	swait.ge [sflag:s4], $0x2000;
	s14 =	simm.s32 @!p0 $0x0  }
0x2c: {  	[sflag:s4] =	ssyncset.done $0x0;
	s15 =	sshll.u32 s14, $0xD  }
0x2d: {  	[sflag:s4] =	ssyncadd.s32 $0xFFFFE000;
	s18 =	sor.u32 $0x20, s15  }
0x2e: {  	s14 =	smul.u32 $0x8100, s14;
	v3 =	vld [tilespmem:s18+$0x10]  }
0x2f: {  	s30 =	sand.u32 $0x1, s11;
	v2 =	vld [tilespmem:s18+$0xFFFFFFF0]  }
0x30: {  	s15 =	smul.u32 $0x8100, s30;
	s14 =	sshrl.u32 s14, $0x2;
	v0 =	vld [tilespmem:s18+$0x0]  }
0x31: {  	v1 =	vld [tilespmem:s18+$0xFFFFFFE0];
	s16 =	sor.u32 $0x4000, s14  }
0x32: {  	s31 =	sshrl.u32 s15, $0x2;
	s15 =	sadd.s32 $0x0, s16  }
0x33: {  	s17 =	simm.s32 $0x4;
	s18 =	sadd.s32 $0x40, s18;
	s14 =	sor.u32 $0x4000, s31;
	[tilespmem:s15+$0x1830 ss:$0x81] =	vst.msk $0xffff, v3  }
.LBB1_3:
0x34: {  	v3 =	vld [tilespmem:s18+$0x10];
	p1 =	sne.s32 s17, $0x1FC;
	[tilespmem:s15+$0x810 ss:$0x81] =	vst.msk $0xffff, v2;
	s19 =	smov.u32 s17;
	s17 =	sadd.s32 $0x4, s17  }
.Ltmp3:
0x35: {  	v2 =	vld [tilespmem:s18+$0xFFFFFFF0];
	[tilespmem:s15+$0x1020 ss:$0x81] =	vst.msk $0xffff, v0;
	(pc) =	sbr.rel @p1 .LBB1_3-.Ltmp3, $4  }
0x36: {  	v0 =	vld [tilespmem:s18+$0x0];
	[tilespmem:s15+$0x0 ss:$0x81] =	vst.msk $0xffff, v1  }
0x37: {  	s15 =	sshra.s32 s19, $0x2;
	v1 =	vld [tilespmem:s18+$0xFFFFFFE0]  }
0x38: {  	s15 =	sadd.s32 s15, s16  }
0x39: {  	s18 =	sadd.s32 $0x40, s18;
	[tilespmem:s15+$0x1830 ss:$0x81] =	vst.msk $0xffff, v3  }
.Ltmp4:
0x3a: {  	_ = 	snop;
	(pc) =	sbr.rel .LBB1_4-.Ltmp4, $1  }
0x3b: {  	_ =	sdelay $0x3  }
.LBB1_6:
0x3c: {  	_ =	sfence.sel $0x180000  }
0x3d: {  	s2 =	simm.s32 $0x1;
	[bflag:$0x0] =	sbarrier.arrive $0xFFFF  }
0x3e: {  	s31 =	simm.s32 $0x2;
	[sflag:s2] =	ssyncpa.u1 $0x1  }
0x3f: {  	[sflag:s31] =	ssyncpa.u1 $0x1  }
0x40: {  	p0 =	sne.s32 s0, $0x0;
	_ =	strace $0x9000004A  }
0x41: {  	s0 =	sadd.s32 @!p0 $0x100000, s1;
	[bflag:$0x2] =	sbarrier.arrive $0xFFFF  }
0x42: {  	[sflag:s0] =	ssyncadd.tile.s32 @!p0 $0x1;
	_ =	shalt  }
.Lfunc_end1:
_tile_overlayer_lowered:
.L_overlay_start_2:
0x43: {  	(tag) =	ssettag $0x2  }
0x44: {  	s0 =	rddreg [dreg:$0x0];
	s2 =	stileid.u32  }
0x45: {  	s1 =	rddreg [dreg:$0x1];
	p0 =	sne.s32 s2, $0x0  }
0x46: {  	s3 =	rddreg [dreg:$0x2];
	[bflag:$0x3] =	sbarrier.arrive $0xFFFF;
	s2 =	simm.s32 @!p0 $0x1C01  }
0x47: {  	[timem:s3], [sflag:s2] =	dma.local @!p0 [hbm:s0], s1  }
0x48: {  	s0 =	simm.s32 @!p0 $0x1  }
0x49: {  	_ =	swait.ge @!p0 [sflag:s0], s1  }
0x4a: {  	s1 =	ssub.s32 @!p0 $0x0, s1;
	[sflag:s0] =	ssyncset.done @!p0 $0x0  }
0x4b: {  	[sflag:s0] =	ssyncadd.s32 @!p0 s1  }
0x4c: {  	[bflag:$0x3] =	sbarrier.arrive $0xFFFF  }
0x4d: {  	_ =	shalt  }

</sc_bundles>
